<compile_context>
chip_gen: v7x
topology: tpu7x:2x2x1
jax: 0.10.2.dev20260603
libtpu: 0.0.44.dev20260713+nightly
codegen_flags: <defaults>
</compile_context>

<pallas_src>
import functools

import jax
import jax.numpy as jnp
from jax import lax
from jax.experimental import pallas as pl
from jax.experimental.pallas import tpu as pltpu
from jax.experimental.pallas import tpu_sc as plsc

B = 16384
VOCAB = 100000
H = 64
N_CAT = 3
N_CONT = 2
TRANS_DIM = 371

_NC = 2
_NS = 16
_NW = _NC * _NS
_LANES = 16
_BPW = B // _NW


def _sc_gather_body(table_hbm, type_hbm, idx_hbm, dense_hbm, out_hbm,
                    t_v, i_v, g_v, rows_v, sem):
    del dense_hbm
    wid = lax.axis_index("s") * _NC + lax.axis_index("c")
    base = wid * _BPW
    pltpu.sync_copy(type_hbm.at[pl.ds(base, _BPW)], t_v)
    pltpu.sync_copy(idx_hbm.at[pl.ds(base, _BPW)], i_v)
    for k in range(_BPW // _LANES):
        sl = pl.ds(k * _LANES, _LANES)
        t = t_v[sl]
        ix = i_v[sl]
        g_v[sl] = jnp.minimum(t, N_CAT - 1) * VOCAB + ix

    def _issue(k, carry):
        gvec = g_v[pl.ds(k * _LANES, _LANES)]
        for i in range(_LANES):
            g = gvec[i]
            pltpu.make_async_copy(
                table_hbm.at[pl.ds(g, 1)],
                rows_v.at[pl.ds(k * _LANES + i, 1)],
                sem,
            ).start()
        return carry

    lax.fori_loop(0, _BPW // _LANES, _issue, 0)

    def _drain(j, carry):
        pltpu.make_async_copy(
            table_hbm.at[pl.ds(0, 1)], rows_v.at[pl.ds(j, 1)], sem
        ).wait()
        return carry

    lax.fori_loop(0, _BPW, _drain, 0)
    pltpu.sync_copy(rows_v, out_hbm.at[pl.ds(base, _BPW)])


_sc_gather = functools.partial(
    pl.kernel,
    out_type=jax.ShapeDtypeStruct((B, H), jnp.float32),
    mesh=plsc.VectorSubcoreMesh(core_axis_name="c", subcore_axis_name="s"),
    scratch_types=[
        pltpu.VMEM((_BPW,), jnp.int32),
        pltpu.VMEM((_BPW,), jnp.int32),
        pltpu.VMEM((_BPW,), jnp.int32),
        pltpu.VMEM((_BPW, H), jnp.float32),
        pltpu.SemaphoreType.DMA,
    ],
)(_sc_gather_body)


_R = 512
_NBLK = B // _R


def _tc_dense_body(type_ref, contv_ref, tfT_ref,
                   contWT_ref, contbT_ref, transWT_ref, transb_ref, out_ref):
    t = type_ref[0]
    v = contv_ref[0]

    trans = lax.dot_general(
        transWT_ref[...], tfT_ref[...],
        dimension_numbers=(((0,), (0,)), ((), ())),
        preferred_element_type=jnp.float32,
    ) + transb_ref[...]

    w0 = contWT_ref[:, 0:1]
    w1 = contWT_ref[:, 1:2]
    b0 = contbT_ref[:, 0:1]
    b1 = contbT_ref[:, 1:2]
    is0 = t <= N_CAT
    cont = jnp.where(is0, v * w0 + b0, v * w1 + b1)

    is_cont = t >= N_CAT
    out_ref[...] = jnp.where(t < N_CAT + N_CONT, cont, trans)


_tc_dense = pl.pallas_call(
    _tc_dense_body,
    grid=(_NBLK,),
    in_specs=[
        pl.BlockSpec((1, 1, _R), lambda i: (i, 0, 0)),
        pl.BlockSpec((1, 1, _R), lambda i: (i, 0, 0)),
        pl.BlockSpec((TRANS_DIM, _R), lambda i: (0, i)),
        pl.BlockSpec((H, N_CONT), lambda i: (0, 0)),
        pl.BlockSpec((H, N_CONT), lambda i: (0, 0)),
        pl.BlockSpec((TRANS_DIM, H), lambda i: (0, 0)),
        pl.BlockSpec((H, 1), lambda i: (0, 0)),
    ],
    out_specs=pl.BlockSpec((H, _R), lambda i: (0, i)),
    out_shape=jax.ShapeDtypeStruct((H, B), jnp.float32),
)


def _tc_finalmerge_body(type_ref, catemb_ref, dense_ref, out_ref):
    t = type_ref[0]
    ident = (lax.broadcasted_iota(jnp.int32, (H, H), 0)
             == lax.broadcasted_iota(jnp.int32, (H, H), 1)).astype(jnp.float32)
    cat = lax.dot_general(
        ident, catemb_ref[...],
        dimension_numbers=(((1,), (1,)), ((), ())),
        preferred_element_type=jnp.float32,
    )
    out_ref[...] = jnp.where(t < N_CAT, cat, dense_ref[...])


_RM = 2048
_NBLKM = B // _RM

_tc_finalmerge = pl.pallas_call(
    _tc_finalmerge_body,
    grid=(_NBLKM,),
    in_specs=[
        pl.BlockSpec((1, 1, _RM), lambda i: (i, 0, 0)),
        pl.BlockSpec((_RM, H), lambda i: (i, 0)),
        pl.BlockSpec((H, _RM), lambda i: (0, i)),
    ],
    out_specs=pl.BlockSpec((H, _RM), lambda i: (0, i)),
    out_shape=jax.ShapeDtypeStruct((H, B), jnp.float32),
)


def kernel(type_id, cat_index, cont_value, trans_feat, cat_tables,
           cont_W, cont_b, trans_W, trans_b):
    table_flat = cat_tables.reshape(N_CAT * VOCAB, H)
    type3d = type_id.reshape(_NBLK, 1, _R)
    dense_t = _tc_dense(
        type3d,
        cont_value.reshape(_NBLK, 1, _R),
        trans_feat.T,
        cont_W.T,
        cont_b.T,
        trans_W.T,
        trans_b.reshape(H, 1),
    )
    cat_emb = _sc_gather(table_flat, type_id, cat_index, dense_t)
    out_t = _tc_finalmerge(type_id.reshape(_NBLKM, 1, _RM), cat_emb, dense_t)
    return out_t.T

# --- scband reference (transcript-rebuilt; emitter-appended) ---
"""Pipeline reference for scband-feature-embeddinng-58394375357027 (READ-ONLY COPY).

The authoritative reference and input builder live on the scoring server;
editing this copy changes nothing except your own understanding.
"""

import jax, jax.numpy as jnp
import numpy as np

B = 16384
VOCAB = 100000
H = 64
N_CAT = 3
N_CONT = 2
TRANS_DIM = 371


def setup_inputs(seed: int = 0) -> dict:
    key = jax.random.key(seed)
    ks = jax.random.split(key, 10)
    type_id = jax.random.randint(ks[0], (B,), 0, N_CAT + N_CONT + 1, dtype=jnp.int32)
    cat_index = jax.random.randint(ks[1], (B,), 0, VOCAB, dtype=jnp.int32)
    cont_value = jax.random.normal(ks[2], (B,), dtype=jnp.float32)
    trans_feat = jax.random.normal(ks[3], (B, TRANS_DIM), dtype=jnp.float32)
    # learned parameters
    cat_tables = jax.random.normal(ks[4], (N_CAT, VOCAB, H), dtype=jnp.float32) * 0.02
    cont_W = jax.random.normal(ks[5], (N_CONT, H), dtype=jnp.float32) * 0.02
    cont_b = jnp.zeros((N_CONT, H), dtype=jnp.float32)
    trans_W = jax.random.normal(ks[6], (H, TRANS_DIM), dtype=jnp.float32) * 0.02
    trans_b = jnp.zeros((H,), dtype=jnp.float32)
    return {
        "type_id": type_id,
        "cat_index": cat_index,
        "cont_value": cont_value,
        "trans_feat": trans_feat,
        "cat_tables": cat_tables,
        "cont_W": cont_W,
        "cont_b": cont_b,
        "trans_W": trans_W,
        "trans_b": trans_b,
    }


def reference(type_id, cat_index, cont_value, trans_feat, cat_tables, cont_W, cont_b, trans_W, trans_b):
    # Vectorized translation of the per-node loop in FeatureEmbeddinng.forward:
    #   type_id in [0, N_CAT)              -> categorical: cat_embed[node_type](fn_mapping[node_type][value])
    #   type_id in [N_CAT, N_CAT+N_CONT)   -> continuous:  Linear(1, H) applied to the scalar value
    #   type_id == N_CAT+N_CONT            -> TransactionID: Linear(371, H) on the fstore feature vector
    cat_t = jnp.clip(type_id, 0, N_CAT - 1)
    cat_emb = cat_tables[cat_t, cat_index]  # gather: [B, H]

    cont_t = jnp.clip(type_id - N_CAT, 0, N_CONT - 1)
    cont_emb = cont_value[:, None] * cont_W[cont_t] + cont_b[cont_t]  # [B, H]

    trans_emb = trans_feat @ trans_W.T + trans_b  # [B, H]

    is_cat = (type_id < N_CAT)[:, None]
    is_cont = ((type_id >= N_CAT) & (type_id < N_CAT + N_CONT))[:, None]
    out = jnp.where(is_cat, cat_emb, jnp.where(is_cont, cont_emb, trans_emb))
    return out  # [B, H], stacked version of the per-node embedding list

if __name__ == "__main__":
    import jax
    _d = setup_inputs()
    print(jax.jit(kernel)(*tuple(_d.values())))

</pallas_src>

<mosaic_0001>
#map = affine_map<(d0, d1) -> (0, 0)>
#map1 = affine_map<(d0, d1) -> (0)>
module attributes {stable_mosaic.version = 14 : i64} {
  func.func @_sc_gather_body(%arg0: i32, %arg1: i32, %arg2: memref<300000x64xf32, #tpu.memory_space<hbm>>, %arg3: memref<16384xi32, #tpu.memory_space<hbm>>, %arg4: memref<16384xi32, #tpu.memory_space<hbm>>, %arg5: memref<64x16384xf32, #tpu.memory_space<hbm>>, %arg6: memref<16384x64xf32, #tpu.memory_space<hbm>>, %arg7: memref<512xi32, #tpu.memory_space<vmem>>, %arg8: memref<512xi32, #tpu.memory_space<vmem>>, %arg9: memref<512xi32, #tpu.memory_space<vmem>>, %arg10: memref<512x64xf32, #tpu.memory_space<vmem>>, %arg11: memref<!tpu.dma_semaphore, #tpu.memory_space<semaphore_mem>>) attributes {dimension_semantics = [#tpu.dimension_semantics<core_parallel>, #tpu.dimension_semantics<subcore_parallel>], iteration_bounds = array<i64: 2, 16>, scalar_prefetch = 0 : i64, scratch_operands = 5 : i64, tpu.core_type = #tpu.core_type<sc_vector_subcore>, window_params = [{transform_indices = #map}, {transform_indices = #map1}, {transform_indices = #map1}, {transform_indices = #map}, {transform_indices = #map}]} {
    %mul3A = arith.constant 2 : i32
    %mul3A_0 = arith.muli %arg1, %mul3A : i32
    %add3A = arith.addi %mul3A_0, %arg0 : i32
    %mul3A_1 = arith.constant 512 : i32
    %mul3A_2 = arith.muli %add3A, %mul3A_1 : i32
    "tpu.region"() ({
      %run_scoped3A = tpu.sem_alloc : memref<!tpu.dma_semaphore, #tpu.memory_space<semaphore_mem>>
      %dma_start3A = tpu.memref_slice %arg3[%mul3A_2] : memref<16384xi32, #tpu.memory_space<hbm>> -> memref<512xi32, #tpu.memory_space<hbm>>
      %dma_start3A_555 = tpu.memref_slice %arg3[%mul3A_2] : memref<16384xi32, #tpu.memory_space<hbm>> -> memref<512xi32, #tpu.memory_space<hbm>>
      tpu.enqueue_dma source(%dma_start3A_555 : memref<512xi32, #tpu.memory_space<hbm>>) target(%arg7 : memref<512xi32, #tpu.memory_space<vmem>>) target_semaphore(%run_scoped3A : memref<!tpu.dma_semaphore, #tpu.memory_space<semaphore_mem>>)
      %dma_wait3A = tpu.memref_slice %arg3[%mul3A_2] : memref<16384xi32, #tpu.memory_space<hbm>> -> memref<512xi32, #tpu.memory_space<hbm>>
      %dma_wait3A_556 = tpu.memref_slice %arg3[%mul3A_2] : memref<16384xi32, #tpu.memory_space<hbm>> -> memref<512xi32, #tpu.memory_space<hbm>>
      tpu.wait_dma2 semaphore(%run_scoped3A : memref<!tpu.dma_semaphore, #tpu.memory_space<semaphore_mem>>) src(%dma_wait3A_556 : memref<512xi32, #tpu.memory_space<hbm>>) dst(%arg7 : memref<512xi32, #tpu.memory_space<vmem>>)
      tpu.yield
    }) : () -> ()
    "tpu.region"() ({
      %run_scoped3A = tpu.sem_alloc : memref<!tpu.dma_semaphore, #tpu.memory_space<semaphore_mem>>
      %dma_start3A = tpu.memref_slice %arg4[%mul3A_2] : memref<16384xi32, #tpu.memory_space<hbm>> -> memref<512xi32, #tpu.memory_space<hbm>>
      %dma_start3A_555 = tpu.memref_slice %arg4[%mul3A_2] : memref<16384xi32, #tpu.memory_space<hbm>> -> memref<512xi32, #tpu.memory_space<hbm>>
      tpu.enqueue_dma source(%dma_start3A_555 : memref<512xi32, #tpu.memory_space<hbm>>) target(%arg8 : memref<512xi32, #tpu.memory_space<vmem>>) target_semaphore(%run_scoped3A : memref<!tpu.dma_semaphore, #tpu.memory_space<semaphore_mem>>)
      %dma_wait3A = tpu.memref_slice %arg4[%mul3A_2] : memref<16384xi32, #tpu.memory_space<hbm>> -> memref<512xi32, #tpu.memory_space<hbm>>
      %dma_wait3A_556 = tpu.memref_slice %arg4[%mul3A_2] : memref<16384xi32, #tpu.memory_space<hbm>> -> memref<512xi32, #tpu.memory_space<hbm>>
      tpu.wait_dma2 semaphore(%run_scoped3A : memref<!tpu.dma_semaphore, #tpu.memory_space<semaphore_mem>>) src(%dma_wait3A_556 : memref<512xi32, #tpu.memory_space<hbm>>) dst(%arg8 : memref<512xi32, #tpu.memory_space<vmem>>)
      tpu.yield
    }) : () -> ()
    %get3A = arith.constant 0 : index
    %get3A_3 = tpu.vector_load %arg7[%get3A] {strides = array<i32>} : memref<512xi32, #tpu.memory_space<vmem>>, vector<16xi32>,
    %get3A_4 = vector.shape_cast %get3A_3 : vector<16xi32> to vector<16xi32>
    %get3A_5 = arith.constant 0 : index
    %get3A_6 = tpu.vector_load %arg8[%get3A_5] {strides = array<i32>} : memref<512xi32, #tpu.memory_space<vmem>>, vector<16xi32>,
    %get3A_7 = vector.shape_cast %get3A_6 : vector<16xi32> to vector<16xi32>
    %min3A = arith.constant 2 : i32
    %min3A_8 = vector.broadcast %min3A : i32 to vector<16xi32>
    %min3A_9 = arith.minsi %get3A_4, %min3A_8 : vector<16xi32>
    %mul3A_10 = arith.constant 100000 : i32
    %mul3A_11 = vector.broadcast %mul3A_10 : i32 to vector<16xi32>
    %mul3A_12 = arith.muli %min3A_9, %mul3A_11 : vector<16xi32>
    %add3A_13 = arith.addi %mul3A_12, %get3A_7 : vector<16xi32>
    %swap3A = arith.constant 0 : index
    %swap3A_14 = tpu.vector_load %arg9[%swap3A] {strides = array<i32>} : memref<512xi32, #tpu.memory_space<vmem>>, vector<16xi32>,
    %swap3A_15 = vector.shape_cast %swap3A_14 : vector<16xi32> to vector<16xi32>
    %swap3A_16 = vector.shape_cast %add3A_13 : vector<16xi32> to vector<16xi32>
    tpu.vector_store %arg9[%swap3A], %swap3A_16 {strides = array<i32>} : memref<512xi32, #tpu.memory_space<vmem>>, vector<16xi32>,
    %get3A_17 = arith.constant 16 : index
    %get3A_18 = tpu.vector_load %arg7[%get3A_17] {strides = array<i32>} : memref<512xi32, #tpu.memory_space<vmem>>, vector<16xi32>,
    %get3A_19 = vector.shape_cast %get3A_18 : vector<16xi32> to vector<16xi32>
    %get3A_20 = arith.constant 16 : index
    %get3A_21 = tpu.vector_load %arg8[%get3A_20] {strides = array<i32>} : memref<512xi32, #tpu.memory_space<vmem>>, vector<16xi32>,
    %get3A_22 = vector.shape_cast %get3A_21 : vector<16xi32> to vector<16xi32>
    %min3A_23 = arith.constant 2 : i32
    %min3A_24 = vector.broadcast %min3A_23 : i32 to vector<16xi32>
    %min3A_25 = arith.minsi %get3A_19, %min3A_24 : vector<16xi32>
    %mul3A_26 = arith.constant 100000 : i32
    %mul3A_27 = vector.broadcast %mul3A_26 : i32 to vector<16xi32>
    %mul3A_28 = arith.muli %min3A_25, %mul3A_27 : vector<16xi32>
    %add3A_29 = arith.addi %mul3A_28, %get3A_22 : vector<16xi32>
    %swap3A_30 = arith.constant 16 : index
    %swap3A_31 = tpu.vector_load %arg9[%swap3A_30] {strides = array<i32>} : memref<512xi32, #tpu.memory_space<vmem>>, vector<16xi32>,
    %swap3A_32 = vector.shape_cast %swap3A_31 : vector<16xi32> to vector<16xi32>
    %swap3A_33 = vector.shape_cast %add3A_29 : vector<16xi32> to vector<16xi32>
    tpu.vector_store %arg9[%swap3A_30], %swap3A_33 {strides = array<i32>} : memref<512xi32, #tpu.memory_space<vmem>>, vector<16xi32>,
    %get3A_34 = arith.constant 32 : index
    %get3A_35 = tpu.vector_load %arg7[%get3A_34] {strides = array<i32>} : memref<512xi32, #tpu.memory_space<vmem>>, vector<16xi32>,
    %get3A_36 = vector.shape_cast %get3A_35 : vector<16xi32> to vector<16xi32>
    %get3A_37 = arith.constant 32 : index
    %get3A_38 = tpu.vector_load %arg8[%get3A_37] {strides = array<i32>} : memref<512xi32, #tpu.memory_space<vmem>>, vector<16xi32>,
    %get3A_39 = vector.shape_cast %get3A_38 : vector<16xi32> to vector<16xi32>
    %min3A_40 = arith.constant 2 : i32
    %min3A_41 = vector.broadcast %min3A_40 : i32 to vector<16xi32>
    %min3A_42 = arith.minsi %get3A_36, %min3A_41 : vector<16xi32>
    %mul3A_43 = arith.constant 100000 : i32
    %mul3A_44 = vector.broadcast %mul3A_43 : i32 to vector<16xi32>
    %mul3A_45 = arith.muli %min3A_42, %mul3A_44 : vector<16xi32>
    %add3A_46 = arith.addi %mul3A_45, %get3A_39 : vector<16xi32>
    %swap3A_47 = arith.constant 32 : index
    %swap3A_48 = tpu.vector_load %arg9[%swap3A_47] {strides = array<i32>} : memref<512xi32, #tpu.memory_space<vmem>>, vector<16xi32>,
    %swap3A_49 = vector.shape_cast %swap3A_48 : vector<16xi32> to vector<16xi32>
    %swap3A_50 = vector.shape_cast %add3A_46 : vector<16xi32> to vector<16xi32>
    tpu.vector_store %arg9[%swap3A_47], %swap3A_50 {strides = array<i32>} : memref<512xi32, #tpu.memory_space<vmem>>, vector<16xi32>,
    %get3A_51 = arith.constant 48 : index
    %get3A_52 = tpu.vector_load %arg7[%get3A_51] {strides = array<i32>} : memref<512xi32, #tpu.memory_space<vmem>>, vector<16xi32>,
    %get3A_53 = vector.shape_cast %get3A_52 : vector<16xi32> to vector<16xi32>
    %get3A_54 = arith.constant 48 : index
    %get3A_55 = tpu.vector_load %arg8[%get3A_54] {strides = array<i32>} : memref<512xi32, #tpu.memory_space<vmem>>, vector<16xi32>,
    %get3A_56 = vector.shape_cast %get3A_55 : vector<16xi32> to vector<16xi32>
    %min3A_57 = arith.constant 2 : i32
    %min3A_58 = vector.broadcast %min3A_57 : i32 to vector<16xi32>
    %min3A_59 = arith.minsi %get3A_53, %min3A_58 : vector<16xi32>
    %mul3A_60 = arith.constant 100000 : i32
    %mul3A_61 = vector.broadcast %mul3A_60 : i32 to vector<16xi32>
    %mul3A_62 = arith.muli %min3A_59, %mul3A_61 : vector<16xi32>
    %add3A_63 = arith.addi %mul3A_62, %get3A_56 : vector<16xi32>
    %swap3A_64 = arith.constant 48 : index
    %swap3A_65 = tpu.vector_load %arg9[%swap3A_64] {strides = array<i32>} : memref<512xi32, #tpu.memory_space<vmem>>, vector<16xi32>,
    %swap3A_66 = vector.shape_cast %swap3A_65 : vector<16xi32> to vector<16xi32>
    %swap3A_67 = vector.shape_cast %add3A_63 : vector<16xi32> to vector<16xi32>
    tpu.vector_store %arg9[%swap3A_64], %swap3A_67 {strides = array<i32>} : memref<512xi32, #tpu.memory_space<vmem>>, vector<16xi32>,
    %get3A_68 = arith.constant 64 : index
    %get3A_69 = tpu.vector_load %arg7[%get3A_68] {strides = array<i32>} : memref<512xi32, #tpu.memory_space<vmem>>, vector<16xi32>,
    %get3A_70 = vector.shape_cast %get3A_69 : vector<16xi32> to vector<16xi32>
    %get3A_71 = arith.constant 64 : index
    %get3A_72 = tpu.vector_load %arg8[%get3A_71] {strides = array<i32>} : memref<512xi32, #tpu.memory_space<vmem>>, vector<16xi32>,
    %get3A_73 = vector.shape_cast %get3A_72 : vector<16xi32> to vector<16xi32>
    %min3A_74 = arith.constant 2 : i32
    %min3A_75 = vector.broadcast %min3A_74 : i32 to vector<16xi32>
    %min3A_76 = arith.minsi %get3A_70, %min3A_75 : vector<16xi32>
    %mul3A_77 = arith.constant 100000 : i32
    %mul3A_78 = vector.broadcast %mul3A_77 : i32 to vector<16xi32>
    %mul3A_79 = arith.muli %min3A_76, %mul3A_78 : vector<16xi32>
    %add3A_80 = arith.addi %mul3A_79, %get3A_73 : vector<16xi32>
    %swap3A_81 = arith.constant 64 : index
    %swap3A_82 = tpu.vector_load %arg9[%swap3A_81] {strides = array<i32>} : memref<512xi32, #tpu.memory_space<vmem>>, vector<16xi32>,
    %swap3A_83 = vector.shape_cast %swap3A_82 : vector<16xi32> to vector<16xi32>
    %swap3A_84 = vector.shape_cast %add3A_80 : vector<16xi32> to vector<16xi32>
    tpu.vector_store %arg9[%swap3A_81], %swap3A_84 {strides = array<i32>} : memref<512xi32, #tpu.memory_space<vmem>>, vector<16xi32>,
    %get3A_85 = arith.constant 80 : index
    %get3A_86 = tpu.vector_load %arg7[%get3A_85] {strides = array<i32>} : memref<512xi32, #tpu.memory_space<vmem>>, vector<16xi32>,
    %get3A_87 = vector.shape_cast %get3A_86 : vector<16xi32> to vector<16xi32>
    %get3A_88 = arith.constant 80 : index
    %get3A_89 = tpu.vector_load %arg8[%get3A_88] {strides = array<i32>} : memref<512xi32, #tpu.memory_space<vmem>>, vector<16xi32>,
    %get3A_90 = vector.shape_cast %get3A_89 : vector<16xi32> to vector<16xi32>
    %min3A_91 = arith.constant 2 : i32
    %min3A_92 = vector.broadcast %min3A_91 : i32 to vector<16xi32>
    %min3A_93 = arith.minsi %get3A_87, %min3A_92 : vector<16xi32>
    %mul3A_94 = arith.constant 100000 : i32
    %mul3A_95 = vector.broadcast %mul3A_94 : i32 to vector<16xi32>
    %mul3A_96 = arith.muli %min3A_93, %mul3A_95 : vector<16xi32>
    %add3A_97 = arith.addi %mul3A_96, %get3A_90 : vector<16xi32>
    %swap3A_98 = arith.constant 80 : index
    %swap3A_99 = tpu.vector_load %arg9[%swap3A_98] {strides = array<i32>} : memref<512xi32, #tpu.memory_space<vmem>>, vector<16xi32>,
    %swap3A_100 = vector.shape_cast %swap3A_99 : vector<16xi32> to vector<16xi32>
    %swap3A_101 = vector.shape_cast %add3A_97 : vector<16xi32> to vector<16xi32>
    tpu.vector_store %arg9[%swap3A_98], %swap3A_101 {strides = array<i32>} : memref<512xi32, #tpu.memory_space<vmem>>, vector<16xi32>,
    %get3A_102 = arith.constant 96 : index
    %get3A_103 = tpu.vector_load %arg7[%get3A_102] {strides = array<i32>} : memref<512xi32, #tpu.memory_space<vmem>>, vector<16xi32>,
    %get3A_104 = vector.shape_cast %get3A_103 : vector<16xi32> to vector<16xi32>
    %get3A_105 = arith.constant 96 : index
    %get3A_106 = tpu.vector_load %arg8[%get3A_105] {strides = array<i32>} : memref<512xi32, #tpu.memory_space<vmem>>, vector<16xi32>,
    %get3A_107 = vector.shape_cast %get3A_106 : vector<16xi32> to vector<16xi32>
    %min3A_108 = arith.constant 2 : i32
    %min3A_109 = vector.broadcast %min3A_108 : i32 to vector<16xi32>
    %min3A_110 = arith.minsi %get3A_104, %min3A_109 : vector<16xi32>
    %mul3A_111 = arith.constant 100000 : i32
    %mul3A_112 = vector.broadcast %mul3A_111 : i32 to vector<16xi32>
    %mul3A_113 = arith.muli %min3A_110, %mul3A_112 : vector<16xi32>
    %add3A_114 = arith.addi %mul3A_113, %get3A_107 : vector<16xi32>
    %swap3A_115 = arith.constant 96 : index
    %swap3A_116 = tpu.vector_load %arg9[%swap3A_115] {strides = array<i32>} : memref<512xi32, #tpu.memory_space<vmem>>, vector<16xi32>,
    %swap3A_117 = vector.shape_cast %swap3A_116 : vector<16xi32> to vector<16xi32>
    %swap3A_118 = vector.shape_cast %add3A_114 : vector<16xi32> to vector<16xi32>
    tpu.vector_store %arg9[%swap3A_115], %swap3A_118 {strides = array<i32>} : memref<512xi32, #tpu.memory_space<vmem>>, vector<16xi32>,
    %get3A_119 = arith.constant 112 : index
    %get3A_120 = tpu.vector_load %arg7[%get3A_119] {strides = array<i32>} : memref<512xi32, #tpu.memory_space<vmem>>, vector<16xi32>,
    %get3A_121 = vector.shape_cast %get3A_120 : vector<16xi32> to vector<16xi32>
    %get3A_122 = arith.constant 112 : index
    %get3A_123 = tpu.vector_load %arg8[%get3A_122] {strides = array<i32>} : memref<512xi32, #tpu.memory_space<vmem>>, vector<16xi32>,
    %get3A_124 = vector.shape_cast %get3A_123 : vector<16xi32> to vector<16xi32>
    %min3A_125 = arith.constant 2 : i32
    %min3A_126 = vector.broadcast %min3A_125 : i32 to vector<16xi32>
    %min3A_127 = arith.minsi %get3A_121, %min3A_126 : vector<16xi32>
    %mul3A_128 = arith.constant 100000 : i32
    %mul3A_129 = vector.broadcast %mul3A_128 : i32 to vector<16xi32>
    %mul3A_130 = arith.muli %min3A_127, %mul3A_129 : vector<16xi32>
    %add3A_131 = arith.addi %mul3A_130, %get3A_124 : vector<16xi32>
    %swap3A_132 = arith.constant 112 : index
    %swap3A_133 = tpu.vector_load %arg9[%swap3A_132] {strides = array<i32>} : memref<512xi32, #tpu.memory_space<vmem>>, vector<16xi32>,
    %swap3A_134 = vector.shape_cast %swap3A_133 : vector<16xi32> to vector<16xi32>
    %swap3A_135 = vector.shape_cast %add3A_131 : vector<16xi32> to vector<16xi32>
    tpu.vector_store %arg9[%swap3A_132], %swap3A_135 {strides = array<i32>} : memref<512xi32, #tpu.memory_space<vmem>>, vector<16xi32>,
    %get3A_136 = arith.constant 128 : index
    %get3A_137 = tpu.vector_load %arg7[%get3A_136] {strides = array<i32>} : memref<512xi32, #tpu.memory_space<vmem>>, vector<16xi32>,
    %get3A_138 = vector.shape_cast %get3A_137 : vector<16xi32> to vector<16xi32>
    %get3A_139 = arith.constant 128 : index
    %get3A_140 = tpu.vector_load %arg8[%get3A_139] {strides = array<i32>} : memref<512xi32, #tpu.memory_space<vmem>>, vector<16xi32>,
    %get3A_141 = vector.shape_cast %get3A_140 : vector<16xi32> to vector<16xi32>
    %min3A_142 = arith.constant 2 : i32
    %min3A_143 = vector.broadcast %min3A_142 : i32 to vector<16xi32>
    %min3A_144 = arith.minsi %get3A_138, %min3A_143 : vector<16xi32>
    %mul3A_145 = arith.constant 100000 : i32
    %mul3A_146 = vector.broadcast %mul3A_145 : i32 to vector<16xi32>
    %mul3A_147 = arith.muli %min3A_144, %mul3A_146 : vector<16xi32>
    %add3A_148 = arith.addi %mul3A_147, %get3A_141 : vector<16xi32>
    %swap3A_149 = arith.constant 128 : index
    %swap3A_150 = tpu.vector_load %arg9[%swap3A_149] {strides = array<i32>} : memref<512xi32, #tpu.memory_space<vmem>>, vector<16xi32>,
    %swap3A_151 = vector.shape_cast %swap3A_150 : vector<16xi32> to vector<16xi32>
    %swap3A_152 = vector.shape_cast %add3A_148 : vector<16xi32> to vector<16xi32>
    tpu.vector_store %arg9[%swap3A_149], %swap3A_152 {strides = array<i32>} : memref<512xi32, #tpu.memory_space<vmem>>, vector<16xi32>,
    %get3A_153 = arith.constant 144 : index
    %get3A_154 = tpu.vector_load %arg7[%get3A_153] {strides = array<i32>} : memref<512xi32, #tpu.memory_space<vmem>>, vector<16xi32>,
    %get3A_155 = vector.shape_cast %get3A_154 : vector<16xi32> to vector<16xi32>
    %get3A_156 = arith.constant 144 : index
    %get3A_157 = tpu.vector_load %arg8[%get3A_156] {strides = array<i32>} : memref<512xi32, #tpu.memory_space<vmem>>, vector<16xi32>,
    %get3A_158 = vector.shape_cast %get3A_157 : vector<16xi32> to vector<16xi32>
    %min3A_159 = arith.constant 2 : i32
    %min3A_160 = vector.broadcast %min3A_159 : i32 to vector<16xi32>
    %min3A_161 = arith.minsi %get3A_155, %min3A_160 : vector<16xi32>
    %mul3A_162 = arith.constant 100000 : i32
    %mul3A_163 = vector.broadcast %mul3A_162 : i32 to vector<16xi32>
    %mul3A_164 = arith.muli %min3A_161, %mul3A_163 : vector<16xi32>
    %add3A_165 = arith.addi %mul3A_164, %get3A_158 : vector<16xi32>
    %swap3A_166 = arith.constant 144 : index
    %swap3A_167 = tpu.vector_load %arg9[%swap3A_166] {strides = array<i32>} : memref<512xi32, #tpu.memory_space<vmem>>, vector<16xi32>,
    %swap3A_168 = vector.shape_cast %swap3A_167 : vector<16xi32> to vector<16xi32>
    %swap3A_169 = vector.shape_cast %add3A_165 : vector<16xi32> to vector<16xi32>
    tpu.vector_store %arg9[%swap3A_166], %swap3A_169 {strides = array<i32>} : memref<512xi32, #tpu.memory_space<vmem>>, vector<16xi32>,
    %get3A_170 = arith.constant 160 : index
    %get3A_171 = tpu.vector_load %arg7[%get3A_170] {strides = array<i32>} : memref<512xi32, #tpu.memory_space<vmem>>, vector<16xi32>,
    %get3A_172 = vector.shape_cast %get3A_171 : vector<16xi32> to vector<16xi32>
    %get3A_173 = arith.constant 160 : index
    %get3A_174 = tpu.vector_load %arg8[%get3A_173] {strides = array<i32>} : memref<512xi32, #tpu.memory_space<vmem>>, vector<16xi32>,
    %get3A_175 = vector.shape_cast %get3A_174 : vector<16xi32> to vector<16xi32>
    %min3A_176 = arith.constant 2 : i32
    %min3A_177 = vector.broadcast %min3A_176 : i32 to vector<16xi32>
    %min3A_178 = arith.minsi %get3A_172, %min3A_177 : vector<16xi32>
    %mul3A_179 = arith.constant 100000 : i32
    %mul3A_180 = vector.broadcast %mul3A_179 : i32 to vector<16xi32>
    %mul3A_181 = arith.muli %min3A_178, %mul3A_180 : vector<16xi32>
    %add3A_182 = arith.addi %mul3A_181, %get3A_175 : vector<16xi32>
    %swap3A_183 = arith.constant 160 : index
    %swap3A_184 = tpu.vector_load %arg9[%swap3A_183] {strides = array<i32>} : memref<512xi32, #tpu.memory_space<vmem>>, vector<16xi32>,
    %swap3A_185 = vector.shape_cast %swap3A_184 : vector<16xi32> to vector<16xi32>
    %swap3A_186 = vector.shape_cast %add3A_182 : vector<16xi32> to vector<16xi32>
    tpu.vector_store %arg9[%swap3A_183], %swap3A_186 {strides = array<i32>} : memref<512xi32, #tpu.memory_space<vmem>>, vector<16xi32>,
    %get3A_187 = arith.constant 176 : index
    %get3A_188 = tpu.vector_load %arg7[%get3A_187] {strides = array<i32>} : memref<512xi32, #tpu.memory_space<vmem>>, vector<16xi32>,
    %get3A_189 = vector.shape_cast %get3A_188 : vector<16xi32> to vector<16xi32>
    %get3A_190 = arith.constant 176 : index
    %get3A_191 = tpu.vector_load %arg8[%get3A_190] {strides = array<i32>} : memref<512xi32, #tpu.memory_space<vmem>>, vector<16xi32>,
    %get3A_192 = vector.shape_cast %get3A_191 : vector<16xi32> to vector<16xi32>
    %min3A_193 = arith.constant 2 : i32
    %min3A_194 = vector.broadcast %min3A_193 : i32 to vector<16xi32>
    %min3A_195 = arith.minsi %get3A_189, %min3A_194 : vector<16xi32>
    %mul3A_196 = arith.constant 100000 : i32
    %mul3A_197 = vector.broadcast %mul3A_196 : i32 to vector<16xi32>
    %mul3A_198 = arith.muli %min3A_195, %mul3A_197 : vector<16xi32>
    %add3A_199 = arith.addi %mul3A_198, %get3A_192 : vector<16xi32>
    %swap3A_200 = arith.constant 176 : index
    %swap3A_201 = tpu.vector_load %arg9[%swap3A_200] {strides = array<i32>} : memref<512xi32, #tpu.memory_space<vmem>>, vector<16xi32>,
    %swap3A_202 = vector.shape_cast %swap3A_201 : vector<16xi32> to vector<16xi32>
    %swap3A_203 = vector.shape_cast %add3A_199 : vector<16xi32> to vector<16xi32>
    tpu.vector_store %arg9[%swap3A_200], %swap3A_203 {strides = array<i32>} : memref<512xi32, #tpu.memory_space<vmem>>, vector<16xi32>,
    %get3A_204 = arith.constant 192 : index
    %get3A_205 = tpu.vector_load %arg7[%get3A_204] {strides = array<i32>} : memref<512xi32, #tpu.memory_space<vmem>>, vector<16xi32>,
    %get3A_206 = vector.shape_cast %get3A_205 : vector<16xi32> to vector<16xi32>
    %get3A_207 = arith.constant 192 : index
    %get3A_208 = tpu.vector_load %arg8[%get3A_207] {strides = array<i32>} : memref<512xi32, #tpu.memory_space<vmem>>, vector<16xi32>,
    %get3A_209 = vector.shape_cast %get3A_208 : vector<16xi32> to vector<16xi32>
    %min3A_210 = arith.constant 2 : i32
    %min3A_211 = vector.broadcast %min3A_210 : i32 to vector<16xi32>
    %min3A_212 = arith.minsi %get3A_206, %min3A_211 : vector<16xi32>
    %mul3A_213 = arith.constant 100000 : i32
    %mul3A_214 = vector.broadcast %mul3A_213 : i32 to vector<16xi32>
    %mul3A_215 = arith.muli %min3A_212, %mul3A_214 : vector<16xi32>
    %add3A_216 = arith.addi %mul3A_215, %get3A_209 : vector<16xi32>
    %swap3A_217 = arith.constant 192 : index
    %swap3A_218 = tpu.vector_load %arg9[%swap3A_217] {strides = array<i32>} : memref<512xi32, #tpu.memory_space<vmem>>, vector<16xi32>,
    %swap3A_219 = vector.shape_cast %swap3A_218 : vector<16xi32> to vector<16xi32>
    %swap3A_220 = vector.shape_cast %add3A_216 : vector<16xi32> to vector<16xi32>
    tpu.vector_store %arg9[%swap3A_217], %swap3A_220 {strides = array<i32>} : memref<512xi32, #tpu.memory_space<vmem>>, vector<16xi32>,
    %get3A_221 = arith.constant 208 : index
    %get3A_222 = tpu.vector_load %arg7[%get3A_221] {strides = array<i32>} : memref<512xi32, #tpu.memory_space<vmem>>, vector<16xi32>,
    %get3A_223 = vector.shape_cast %get3A_222 : vector<16xi32> to vector<16xi32>
    %get3A_224 = arith.constant 208 : index
    %get3A_225 = tpu.vector_load %arg8[%get3A_224] {strides = array<i32>} : memref<512xi32, #tpu.memory_space<vmem>>, vector<16xi32>,
    %get3A_226 = vector.shape_cast %get3A_225 : vector<16xi32> to vector<16xi32>
    %min3A_227 = arith.constant 2 : i32
    %min3A_228 = vector.broadcast %min3A_227 : i32 to vector<16xi32>
    %min3A_229 = arith.minsi %get3A_223, %min3A_228 : vector<16xi32>
    %mul3A_230 = arith.constant 100000 : i32
    %mul3A_231 = vector.broadcast %mul3A_230 : i32 to vector<16xi32>
    %mul3A_232 = arith.muli %min3A_229, %mul3A_231 : vector<16xi32>
    %add3A_233 = arith.addi %mul3A_232, %get3A_226 : vector<16xi32>
    %swap3A_234 = arith.constant 208 : index
    %swap3A_235 = tpu.vector_load %arg9[%swap3A_234] {strides = array<i32>} : memref<512xi32, #tpu.memory_space<vmem>>, vector<16xi32>,
    %swap3A_236 = vector.shape_cast %swap3A_235 : vector<16xi32> to vector<16xi32>
    %swap3A_237 = vector.shape_cast %add3A_233 : vector<16xi32> to vector<16xi32>
    tpu.vector_store %arg9[%swap3A_234], %swap3A_237 {strides = array<i32>} : memref<512xi32, #tpu.memory_space<vmem>>, vector<16xi32>,
    %get3A_238 = arith.constant 224 : index
    %get3A_239 = tpu.vector_load %arg7[%get3A_238] {strides = array<i32>} : memref<512xi32, #tpu.memory_space<vmem>>, vector<16xi32>,
    %get3A_240 = vector.shape_cast %get3A_239 : vector<16xi32> to vector<16xi32>
    %get3A_241 = arith.constant 224 : index
    %get3A_242 = tpu.vector_load %arg8[%get3A_241] {strides = array<i32>} : memref<512xi32, #tpu.memory_space<vmem>>, vector<16xi32>,
    %get3A_243 = vector.shape_cast %get3A_242 : vector<16xi32> to vector<16xi32>
    %min3A_244 = arith.constant 2 : i32
    %min3A_245 = vector.broadcast %min3A_244 : i32 to vector<16xi32>
    %min3A_246 = arith.minsi %get3A_240, %min3A_245 : vector<16xi32>
    %mul3A_247 = arith.constant 100000 : i32
    %mul3A_248 = vector.broadcast %mul3A_247 : i32 to vector<16xi32>
    %mul3A_249 = arith.muli %min3A_246, %mul3A_248 : vector<16xi32>
    %add3A_250 = arith.addi %mul3A_249, %get3A_243 : vector<16xi32>
    %swap3A_251 = arith.constant 224 : index
    %swap3A_252 = tpu.vector_load %arg9[%swap3A_251] {strides = array<i32>} : memref<512xi32, #tpu.memory_space<vmem>>, vector<16xi32>,
    %swap3A_253 = vector.shape_cast %swap3A_252 : vector<16xi32> to vector<16xi32>
    %swap3A_254 = vector.shape_cast %add3A_250 : vector<16xi32> to vector<16xi32>
    tpu.vector_store %arg9[%swap3A_251], %swap3A_254 {strides = array<i32>} : memref<512xi32, #tpu.memory_space<vmem>>, vector<16xi32>,
    %get3A_255 = arith.constant 240 : index
    %get3A_256 = tpu.vector_load %arg7[%get3A_255] {strides = array<i32>} : memref<512xi32, #tpu.memory_space<vmem>>, vector<16xi32>,
    %get3A_257 = vector.shape_cast %get3A_256 : vector<16xi32> to vector<16xi32>
    %get3A_258 = arith.constant 240 : index
    %get3A_259 = tpu.vector_load %arg8[%get3A_258] {strides = array<i32>} : memref<512xi32, #tpu.memory_space<vmem>>, vector<16xi32>,
    %get3A_260 = vector.shape_cast %get3A_259 : vector<16xi32> to vector<16xi32>
    %min3A_261 = arith.constant 2 : i32
    %min3A_262 = vector.broadcast %min3A_261 : i32 to vector<16xi32>
    %min3A_263 = arith.minsi %get3A_257, %min3A_262 : vector<16xi32>
    %mul3A_264 = arith.constant 100000 : i32
    %mul3A_265 = vector.broadcast %mul3A_264 : i32 to vector<16xi32>
    %mul3A_266 = arith.muli %min3A_263, %mul3A_265 : vector<16xi32>
    %add3A_267 = arith.addi %mul3A_266, %get3A_260 : vector<16xi32>
    %swap3A_268 = arith.constant 240 : index
    %swap3A_269 = tpu.vector_load %arg9[%swap3A_268] {strides = array<i32>} : memref<512xi32, #tpu.memory_space<vmem>>, vector<16xi32>,
    %swap3A_270 = vector.shape_cast %swap3A_269 : vector<16xi32> to vector<16xi32>
    %swap3A_271 = vector.shape_cast %add3A_267 : vector<16xi32> to vector<16xi32>
    tpu.vector_store %arg9[%swap3A_268], %swap3A_271 {strides = array<i32>} : memref<512xi32, #tpu.memory_space<vmem>>, vector<16xi32>,
    %get3A_272 = arith.constant 256 : index
    %get3A_273 = tpu.vector_load %arg7[%get3A_272] {strides = array<i32>} : memref<512xi32, #tpu.memory_space<vmem>>, vector<16xi32>,
    %get3A_274 = vector.shape_cast %get3A_273 : vector<16xi32> to vector<16xi32>
    %get3A_275 = arith.constant 256 : index
    %get3A_276 = tpu.vector_load %arg8[%get3A_275] {strides = array<i32>} : memref<512xi32, #tpu.memory_space<vmem>>, vector<16xi32>,
    %get3A_277 = vector.shape_cast %get3A_276 : vector<16xi32> to vector<16xi32>
    %min3A_278 = arith.constant 2 : i32
    %min3A_279 = vector.broadcast %min3A_278 : i32 to vector<16xi32>
    %min3A_280 = arith.minsi %get3A_274, %min3A_279 : vector<16xi32>
    %mul3A_281 = arith.constant 100000 : i32
    %mul3A_282 = vector.broadcast %mul3A_281 : i32 to vector<16xi32>
    %mul3A_283 = arith.muli %min3A_280, %mul3A_282 : vector<16xi32>
    %add3A_284 = arith.addi %mul3A_283, %get3A_277 : vector<16xi32>
    %swap3A_285 = arith.constant 256 : index
    %swap3A_286 = tpu.vector_load %arg9[%swap3A_285] {strides = array<i32>} : memref<512xi32, #tpu.memory_space<vmem>>, vector<16xi32>,
    %swap3A_287 = vector.shape_cast %swap3A_286 : vector<16xi32> to vector<16xi32>
    %swap3A_288 = vector.shape_cast %add3A_284 : vector<16xi32> to vector<16xi32>
    tpu.vector_store %arg9[%swap3A_285], %swap3A_288 {strides = array<i32>} : memref<512xi32, #tpu.memory_space<vmem>>, vector<16xi32>,
    %get3A_289 = arith.constant 272 : index
    %get3A_290 = tpu.vector_load %arg7[%get3A_289] {strides = array<i32>} : memref<512xi32, #tpu.memory_space<vmem>>, vector<16xi32>,
    %get3A_291 = vector.shape_cast %get3A_290 : vector<16xi32> to vector<16xi32>
    %get3A_292 = arith.constant 272 : index
    %get3A_293 = tpu.vector_load %arg8[%get3A_292] {strides = array<i32>} : memref<512xi32, #tpu.memory_space<vmem>>, vector<16xi32>,
    %get3A_294 = vector.shape_cast %get3A_293 : vector<16xi32> to vector<16xi32>
    %min3A_295 = arith.constant 2 : i32
    %min3A_296 = vector.broadcast %min3A_295 : i32 to vector<16xi32>
    %min3A_297 = arith.minsi %get3A_291, %min3A_296 : vector<16xi32>
    %mul3A_298 = arith.constant 100000 : i32
    %mul3A_299 = vector.broadcast %mul3A_298 : i32 to vector<16xi32>
    %mul3A_300 = arith.muli %min3A_297, %mul3A_299 : vector<16xi32>
    %add3A_301 = arith.addi %mul3A_300, %get3A_294 : vector<16xi32>
    %swap3A_302 = arith.constant 272 : index
    %swap3A_303 = tpu.vector_load %arg9[%swap3A_302] {strides = array<i32>} : memref<512xi32, #tpu.memory_space<vmem>>, vector<16xi32>,
    %swap3A_304 = vector.shape_cast %swap3A_303 : vector<16xi32> to vector<16xi32>
    %swap3A_305 = vector.shape_cast %add3A_301 : vector<16xi32> to vector<16xi32>
    tpu.vector_store %arg9[%swap3A_302], %swap3A_305 {strides = array<i32>} : memref<512xi32, #tpu.memory_space<vmem>>, vector<16xi32>,
    %get3A_306 = arith.constant 288 : index
    %get3A_307 = tpu.vector_load %arg7[%get3A_306] {strides = array<i32>} : memref<512xi32, #tpu.memory_space<vmem>>, vector<16xi32>,
    %get3A_308 = vector.shape_cast %get3A_307 : vector<16xi32> to vector<16xi32>
    %get3A_309 = arith.constant 288 : index
    %get3A_310 = tpu.vector_load %arg8[%get3A_309] {strides = array<i32>} : memref<512xi32, #tpu.memory_space<vmem>>, vector<16xi32>,
    %get3A_311 = vector.shape_cast %get3A_310 : vector<16xi32> to vector<16xi32>
    %min3A_312 = arith.constant 2 : i32
    %min3A_313 = vector.broadcast %min3A_312 : i32 to vector<16xi32>
    %min3A_314 = arith.minsi %get3A_308, %min3A_313 : vector<16xi32>
    %mul3A_315 = arith.constant 100000 : i32
    %mul3A_316 = vector.broadcast %mul3A_315 : i32 to vector<16xi32>
    %mul3A_317 = arith.muli %min3A_314, %mul3A_316 : vector<16xi32>
    %add3A_318 = arith.addi %mul3A_317, %get3A_311 : vector<16xi32>
    %swap3A_319 = arith.constant 288 : index
    %swap3A_320 = tpu.vector_load %arg9[%swap3A_319] {strides = array<i32>} : memref<512xi32, #tpu.memory_space<vmem>>, vector<16xi32>,
    %swap3A_321 = vector.shape_cast %swap3A_320 : vector<16xi32> to vector<16xi32>
    %swap3A_322 = vector.shape_cast %add3A_318 : vector<16xi32> to vector<16xi32>
    tpu.vector_store %arg9[%swap3A_319], %swap3A_322 {strides = array<i32>} : memref<512xi32, #tpu.memory_space<vmem>>, vector<16xi32>,
    %get3A_323 = arith.constant 304 : index
    %get3A_324 = tpu.vector_load %arg7[%get3A_323] {strides = array<i32>} : memref<512xi32, #tpu.memory_space<vmem>>, vector<16xi32>,
    %get3A_325 = vector.shape_cast %get3A_324 : vector<16xi32> to vector<16xi32>
    %get3A_326 = arith.constant 304 : index
    %get3A_327 = tpu.vector_load %arg8[%get3A_326] {strides = array<i32>} : memref<512xi32, #tpu.memory_space<vmem>>, vector<16xi32>,
    %get3A_328 = vector.shape_cast %get3A_327 : vector<16xi32> to vector<16xi32>
    %min3A_329 = arith.constant 2 : i32
    %min3A_330 = vector.broadcast %min3A_329 : i32 to vector<16xi32>
    %min3A_331 = arith.minsi %get3A_325, %min3A_330 : vector<16xi32>
    %mul3A_332 = arith.constant 100000 : i32
    %mul3A_333 = vector.broadcast %mul3A_332 : i32 to vector<16xi32>
    %mul3A_334 = arith.muli %min3A_331, %mul3A_333 : vector<16xi32>
    %add3A_335 = arith.addi %mul3A_334, %get3A_328 : vector<16xi32>
    %swap3A_336 = arith.constant 304 : index
    %swap3A_337 = tpu.vector_load %arg9[%swap3A_336] {strides = array<i32>} : memref<512xi32, #tpu.memory_space<vmem>>, vector<16xi32>,
    %swap3A_338 = vector.shape_cast %swap3A_337 : vector<16xi32> to vector<16xi32>
    %swap3A_339 = vector.shape_cast %add3A_335 : vector<16xi32> to vector<16xi32>
    tpu.vector_store %arg9[%swap3A_336], %swap3A_339 {strides = array<i32>} : memref<512xi32, #tpu.memory_space<vmem>>, vector<16xi32>,
    %get3A_340 = arith.constant 320 : index
    %get3A_341 = tpu.vector_load %arg7[%get3A_340] {strides = array<i32>} : memref<512xi32, #tpu.memory_space<vmem>>, vector<16xi32>,
    %get3A_342 = vector.shape_cast %get3A_341 : vector<16xi32> to vector<16xi32>
    %get3A_343 = arith.constant 320 : index
    %get3A_344 = tpu.vector_load %arg8[%get3A_343] {strides = array<i32>} : memref<512xi32, #tpu.memory_space<vmem>>, vector<16xi32>,
    %get3A_345 = vector.shape_cast %get3A_344 : vector<16xi32> to vector<16xi32>
    %min3A_346 = arith.constant 2 : i32
    %min3A_347 = vector.broadcast %min3A_346 : i32 to vector<16xi32>
    %min3A_348 = arith.minsi %get3A_342, %min3A_347 : vector<16xi32>
    %mul3A_349 = arith.constant 100000 : i32
    %mul3A_350 = vector.broadcast %mul3A_349 : i32 to vector<16xi32>
    %mul3A_351 = arith.muli %min3A_348, %mul3A_350 : vector<16xi32>
    %add3A_352 = arith.addi %mul3A_351, %get3A_345 : vector<16xi32>
    %swap3A_353 = arith.constant 320 : index
    %swap3A_354 = tpu.vector_load %arg9[%swap3A_353] {strides = array<i32>} : memref<512xi32, #tpu.memory_space<vmem>>, vector<16xi32>,
    %swap3A_355 = vector.shape_cast %swap3A_354 : vector<16xi32> to vector<16xi32>
    %swap3A_356 = vector.shape_cast %add3A_352 : vector<16xi32> to vector<16xi32>
    tpu.vector_store %arg9[%swap3A_353], %swap3A_356 {strides = array<i32>} : memref<512xi32, #tpu.memory_space<vmem>>, vector<16xi32>,
    %get3A_357 = arith.constant 336 : index
    %get3A_358 = tpu.vector_load %arg7[%get3A_357] {strides = array<i32>} : memref<512xi32, #tpu.memory_space<vmem>>, vector<16xi32>,
    %get3A_359 = vector.shape_cast %get3A_358 : vector<16xi32> to vector<16xi32>
    %get3A_360 = arith.constant 336 : index
    %get3A_361 = tpu.vector_load %arg8[%get3A_360] {strides = array<i32>} : memref<512xi32, #tpu.memory_space<vmem>>, vector<16xi32>,
    %get3A_362 = vector.shape_cast %get3A_361 : vector<16xi32> to vector<16xi32>
    %min3A_363 = arith.constant 2 : i32
    %min3A_364 = vector.broadcast %min3A_363 : i32 to vector<16xi32>
    %min3A_365 = arith.minsi %get3A_359, %min3A_364 : vector<16xi32>
    %mul3A_366 = arith.constant 100000 : i32
    %mul3A_367 = vector.broadcast %mul3A_366 : i32 to vector<16xi32>
    %mul3A_368 = arith.muli %min3A_365, %mul3A_367 : vector<16xi32>
    %add3A_369 = arith.addi %mul3A_368, %get3A_362 : vector<16xi32>
    %swap3A_370 = arith.constant 336 : index
    %swap3A_371 = tpu.vector_load %arg9[%swap3A_370] {strides = array<i32>} : memref<512xi32, #tpu.memory_space<vmem>>, vector<16xi32>,
    %swap3A_372 = vector.shape_cast %swap3A_371 : vector<16xi32> to vector<16xi32>
    %swap3A_373 = vector.shape_cast %add3A_369 : vector<16xi32> to vector<16xi32>
    tpu.vector_store %arg9[%swap3A_370], %swap3A_373 {strides = array<i32>} : memref<512xi32, #tpu.memory_space<vmem>>, vector<16xi32>,
    %get3A_374 = arith.constant 352 : index
    %get3A_375 = tpu.vector_load %arg7[%get3A_374] {strides = array<i32>} : memref<512xi32, #tpu.memory_space<vmem>>, vector<16xi32>,
    %get3A_376 = vector.shape_cast %get3A_375 : vector<16xi32> to vector<16xi32>
    %get3A_377 = arith.constant 352 : index
    %get3A_378 = tpu.vector_load %arg8[%get3A_377] {strides = array<i32>} : memref<512xi32, #tpu.memory_space<vmem>>, vector<16xi32>,
    %get3A_379 = vector.shape_cast %get3A_378 : vector<16xi32> to vector<16xi32>
    %min3A_380 = arith.constant 2 : i32
    %min3A_381 = vector.broadcast %min3A_380 : i32 to vector<16xi32>
    %min3A_382 = arith.minsi %get3A_376, %min3A_381 : vector<16xi32>
    %mul3A_383 = arith.constant 100000 : i32
    %mul3A_384 = vector.broadcast %mul3A_383 : i32 to vector<16xi32>
    %mul3A_385 = arith.muli %min3A_382, %mul3A_384 : vector<16xi32>
    %add3A_386 = arith.addi %mul3A_385, %get3A_379 : vector<16xi32>
    %swap3A_387 = arith.constant 352 : index
    %swap3A_388 = tpu.vector_load %arg9[%swap3A_387] {strides = array<i32>} : memref<512xi32, #tpu.memory_space<vmem>>, vector<16xi32>,
    %swap3A_389 = vector.shape_cast %swap3A_388 : vector<16xi32> to vector<16xi32>
    %swap3A_390 = vector.shape_cast %add3A_386 : vector<16xi32> to vector<16xi32>
    tpu.vector_store %arg9[%swap3A_387], %swap3A_390 {strides = array<i32>} : memref<512xi32, #tpu.memory_space<vmem>>, vector<16xi32>,
    %get3A_391 = arith.constant 368 : index
    %get3A_392 = tpu.vector_load %arg7[%get3A_391] {strides = array<i32>} : memref<512xi32, #tpu.memory_space<vmem>>, vector<16xi32>,
    %get3A_393 = vector.shape_cast %get3A_392 : vector<16xi32> to vector<16xi32>
    %get3A_394 = arith.constant 368 : index
    %get3A_395 = tpu.vector_load %arg8[%get3A_394] {strides = array<i32>} : memref<512xi32, #tpu.memory_space<vmem>>, vector<16xi32>,
    %get3A_396 = vector.shape_cast %get3A_395 : vector<16xi32> to vector<16xi32>
    %min3A_397 = arith.constant 2 : i32
    %min3A_398 = vector.broadcast %min3A_397 : i32 to vector<16xi32>
    %min3A_399 = arith.minsi %get3A_393, %min3A_398 : vector<16xi32>
    %mul3A_400 = arith.constant 100000 : i32
    %mul3A_401 = vector.broadcast %mul3A_400 : i32 to vector<16xi32>
    %mul3A_402 = arith.muli %min3A_399, %mul3A_401 : vector<16xi32>
    %add3A_403 = arith.addi %mul3A_402, %get3A_396 : vector<16xi32>
    %swap3A_404 = arith.constant 368 : index
    %swap3A_405 = tpu.vector_load %arg9[%swap3A_404] {strides = array<i32>} : memref<512xi32, #tpu.memory_space<vmem>>, vector<16xi32>,
    %swap3A_406 = vector.shape_cast %swap3A_405 : vector<16xi32> to vector<16xi32>
    %swap3A_407 = vector.shape_cast %add3A_403 : vector<16xi32> to vector<16xi32>
    tpu.vector_store %arg9[%swap3A_404], %swap3A_407 {strides = array<i32>} : memref<512xi32, #tpu.memory_space<vmem>>, vector<16xi32>,
    %get3A_408 = arith.constant 384 : index
    %get3A_409 = tpu.vector_load %arg7[%get3A_408] {strides = array<i32>} : memref<512xi32, #tpu.memory_space<vmem>>, vector<16xi32>,
    %get3A_410 = vector.shape_cast %get3A_409 : vector<16xi32> to vector<16xi32>
    %get3A_411 = arith.constant 384 : index
    %get3A_412 = tpu.vector_load %arg8[%get3A_411] {strides = array<i32>} : memref<512xi32, #tpu.memory_space<vmem>>, vector<16xi32>,
    %get3A_413 = vector.shape_cast %get3A_412 : vector<16xi32> to vector<16xi32>
    %min3A_414 = arith.constant 2 : i32
    %min3A_415 = vector.broadcast %min3A_414 : i32 to vector<16xi32>
    %min3A_416 = arith.minsi %get3A_410, %min3A_415 : vector<16xi32>
    %mul3A_417 = arith.constant 100000 : i32
    %mul3A_418 = vector.broadcast %mul3A_417 : i32 to vector<16xi32>
    %mul3A_419 = arith.muli %min3A_416, %mul3A_418 : vector<16xi32>
    %add3A_420 = arith.addi %mul3A_419, %get3A_413 : vector<16xi32>
    %swap3A_421 = arith.constant 384 : index
    %swap3A_422 = tpu.vector_load %arg9[%swap3A_421] {strides = array<i32>} : memref<512xi32, #tpu.memory_space<vmem>>, vector<16xi32>,
    %swap3A_423 = vector.shape_cast %swap3A_422 : vector<16xi32> to vector<16xi32>
    %swap3A_424 = vector.shape_cast %add3A_420 : vector<16xi32> to vector<16xi32>
    tpu.vector_store %arg9[%swap3A_421], %swap3A_424 {strides = array<i32>} : memref<512xi32, #tpu.memory_space<vmem>>, vector<16xi32>,
    %get3A_425 = arith.constant 400 : index
    %get3A_426 = tpu.vector_load %arg7[%get3A_425] {strides = array<i32>} : memref<512xi32, #tpu.memory_space<vmem>>, vector<16xi32>,
    %get3A_427 = vector.shape_cast %get3A_426 : vector<16xi32> to vector<16xi32>
    %get3A_428 = arith.constant 400 : index
    %get3A_429 = tpu.vector_load %arg8[%get3A_428] {strides = array<i32>} : memref<512xi32, #tpu.memory_space<vmem>>, vector<16xi32>,
    %get3A_430 = vector.shape_cast %get3A_429 : vector<16xi32> to vector<16xi32>
    %min3A_431 = arith.constant 2 : i32
    %min3A_432 = vector.broadcast %min3A_431 : i32 to vector<16xi32>
    %min3A_433 = arith.minsi %get3A_427, %min3A_432 : vector<16xi32>
    %mul3A_434 = arith.constant 100000 : i32
    %mul3A_435 = vector.broadcast %mul3A_434 : i32 to vector<16xi32>
    %mul3A_436 = arith.muli %min3A_433, %mul3A_435 : vector<16xi32>
    %add3A_437 = arith.addi %mul3A_436, %get3A_430 : vector<16xi32>
    %swap3A_438 = arith.constant 400 : index
    %swap3A_439 = tpu.vector_load %arg9[%swap3A_438] {strides = array<i32>} : memref<512xi32, #tpu.memory_space<vmem>>, vector<16xi32>,
    %swap3A_440 = vector.shape_cast %swap3A_439 : vector<16xi32> to vector<16xi32>
    %swap3A_441 = vector.shape_cast %add3A_437 : vector<16xi32> to vector<16xi32>
    tpu.vector_store %arg9[%swap3A_438], %swap3A_441 {strides = array<i32>} : memref<512xi32, #tpu.memory_space<vmem>>, vector<16xi32>,
    %get3A_442 = arith.constant 416 : index
    %get3A_443 = tpu.vector_load %arg7[%get3A_442] {strides = array<i32>} : memref<512xi32, #tpu.memory_space<vmem>>, vector<16xi32>,
    %get3A_444 = vector.shape_cast %get3A_443 : vector<16xi32> to vector<16xi32>
    %get3A_445 = arith.constant 416 : index
    %get3A_446 = tpu.vector_load %arg8[%get3A_445] {strides = array<i32>} : memref<512xi32, #tpu.memory_space<vmem>>, vector<16xi32>,
    %get3A_447 = vector.shape_cast %get3A_446 : vector<16xi32> to vector<16xi32>
    %min3A_448 = arith.constant 2 : i32
    %min3A_449 = vector.broadcast %min3A_448 : i32 to vector<16xi32>
    %min3A_450 = arith.minsi %get3A_444, %min3A_449 : vector<16xi32>
    %mul3A_451 = arith.constant 100000 : i32
    %mul3A_452 = vector.broadcast %mul3A_451 : i32 to vector<16xi32>
    %mul3A_453 = arith.muli %min3A_450, %mul3A_452 : vector<16xi32>
    %add3A_454 = arith.addi %mul3A_453, %get3A_447 : vector<16xi32>
    %swap3A_455 = arith.constant 416 : index
    %swap3A_456 = tpu.vector_load %arg9[%swap3A_455] {strides = array<i32>} : memref<512xi32, #tpu.memory_space<vmem>>, vector<16xi32>,
    %swap3A_457 = vector.shape_cast %swap3A_456 : vector<16xi32> to vector<16xi32>
    %swap3A_458 = vector.shape_cast %add3A_454 : vector<16xi32> to vector<16xi32>
    tpu.vector_store %arg9[%swap3A_455], %swap3A_458 {strides = array<i32>} : memref<512xi32, #tpu.memory_space<vmem>>, vector<16xi32>,
    %get3A_459 = arith.constant 432 : index
    %get3A_460 = tpu.vector_load %arg7[%get3A_459] {strides = array<i32>} : memref<512xi32, #tpu.memory_space<vmem>>, vector<16xi32>,
    %get3A_461 = vector.shape_cast %get3A_460 : vector<16xi32> to vector<16xi32>
    %get3A_462 = arith.constant 432 : index
    %get3A_463 = tpu.vector_load %arg8[%get3A_462] {strides = array<i32>} : memref<512xi32, #tpu.memory_space<vmem>>, vector<16xi32>,
    %get3A_464 = vector.shape_cast %get3A_463 : vector<16xi32> to vector<16xi32>
    %min3A_465 = arith.constant 2 : i32
    %min3A_466 = vector.broadcast %min3A_465 : i32 to vector<16xi32>
    %min3A_467 = arith.minsi %get3A_461, %min3A_466 : vector<16xi32>
    %mul3A_468 = arith.constant 100000 : i32
    %mul3A_469 = vector.broadcast %mul3A_468 : i32 to vector<16xi32>
    %mul3A_470 = arith.muli %min3A_467, %mul3A_469 : vector<16xi32>
    %add3A_471 = arith.addi %mul3A_470, %get3A_464 : vector<16xi32>
    %swap3A_472 = arith.constant 432 : index
    %swap3A_473 = tpu.vector_load %arg9[%swap3A_472] {strides = array<i32>} : memref<512xi32, #tpu.memory_space<vmem>>, vector<16xi32>,
    %swap3A_474 = vector.shape_cast %swap3A_473 : vector<16xi32> to vector<16xi32>
    %swap3A_475 = vector.shape_cast %add3A_471 : vector<16xi32> to vector<16xi32>
    tpu.vector_store %arg9[%swap3A_472], %swap3A_475 {strides = array<i32>} : memref<512xi32, #tpu.memory_space<vmem>>, vector<16xi32>,
    %get3A_476 = arith.constant 448 : index
    %get3A_477 = tpu.vector_load %arg7[%get3A_476] {strides = array<i32>} : memref<512xi32, #tpu.memory_space<vmem>>, vector<16xi32>,
    %get3A_478 = vector.shape_cast %get3A_477 : vector<16xi32> to vector<16xi32>
    %get3A_479 = arith.constant 448 : index
    %get3A_480 = tpu.vector_load %arg8[%get3A_479] {strides = array<i32>} : memref<512xi32, #tpu.memory_space<vmem>>, vector<16xi32>,
    %get3A_481 = vector.shape_cast %get3A_480 : vector<16xi32> to vector<16xi32>
    %min3A_482 = arith.constant 2 : i32
    %min3A_483 = vector.broadcast %min3A_482 : i32 to vector<16xi32>
    %min3A_484 = arith.minsi %get3A_478, %min3A_483 : vector<16xi32>
    %mul3A_485 = arith.constant 100000 : i32
    %mul3A_486 = vector.broadcast %mul3A_485 : i32 to vector<16xi32>
    %mul3A_487 = arith.muli %min3A_484, %mul3A_486 : vector<16xi32>
    %add3A_488 = arith.addi %mul3A_487, %get3A_481 : vector<16xi32>
    %swap3A_489 = arith.constant 448 : index
    %swap3A_490 = tpu.vector_load %arg9[%swap3A_489] {strides = array<i32>} : memref<512xi32, #tpu.memory_space<vmem>>, vector<16xi32>,
    %swap3A_491 = vector.shape_cast %swap3A_490 : vector<16xi32> to vector<16xi32>
    %swap3A_492 = vector.shape_cast %add3A_488 : vector<16xi32> to vector<16xi32>
    tpu.vector_store %arg9[%swap3A_489], %swap3A_492 {strides = array<i32>} : memref<512xi32, #tpu.memory_space<vmem>>, vector<16xi32>,
    %get3A_493 = arith.constant 464 : index
    %get3A_494 = tpu.vector_load %arg7[%get3A_493] {strides = array<i32>} : memref<512xi32, #tpu.memory_space<vmem>>, vector<16xi32>,
    %get3A_495 = vector.shape_cast %get3A_494 : vector<16xi32> to vector<16xi32>
    %get3A_496 = arith.constant 464 : index
    %get3A_497 = tpu.vector_load %arg8[%get3A_496] {strides = array<i32>} : memref<512xi32, #tpu.memory_space<vmem>>, vector<16xi32>,
    %get3A_498 = vector.shape_cast %get3A_497 : vector<16xi32> to vector<16xi32>
    %min3A_499 = arith.constant 2 : i32
    %min3A_500 = vector.broadcast %min3A_499 : i32 to vector<16xi32>
    %min3A_501 = arith.minsi %get3A_495, %min3A_500 : vector<16xi32>
    %mul3A_502 = arith.constant 100000 : i32
    %mul3A_503 = vector.broadcast %mul3A_502 : i32 to vector<16xi32>
    %mul3A_504 = arith.muli %min3A_501, %mul3A_503 : vector<16xi32>
    %add3A_505 = arith.addi %mul3A_504, %get3A_498 : vector<16xi32>
    %swap3A_506 = arith.constant 464 : index
    %swap3A_507 = tpu.vector_load %arg9[%swap3A_506] {strides = array<i32>} : memref<512xi32, #tpu.memory_space<vmem>>, vector<16xi32>,
    %swap3A_508 = vector.shape_cast %swap3A_507 : vector<16xi32> to vector<16xi32>
    %swap3A_509 = vector.shape_cast %add3A_505 : vector<16xi32> to vector<16xi32>
    tpu.vector_store %arg9[%swap3A_506], %swap3A_509 {strides = array<i32>} : memref<512xi32, #tpu.memory_space<vmem>>, vector<16xi32>,
    %get3A_510 = arith.constant 480 : index
    %get3A_511 = tpu.vector_load %arg7[%get3A_510] {strides = array<i32>} : memref<512xi32, #tpu.memory_space<vmem>>, vector<16xi32>,
    %get3A_512 = vector.shape_cast %get3A_511 : vector<16xi32> to vector<16xi32>
    %get3A_513 = arith.constant 480 : index
    %get3A_514 = tpu.vector_load %arg8[%get3A_513] {strides = array<i32>} : memref<512xi32, #tpu.memory_space<vmem>>, vector<16xi32>,
    %get3A_515 = vector.shape_cast %get3A_514 : vector<16xi32> to vector<16xi32>
    %min3A_516 = arith.constant 2 : i32
    %min3A_517 = vector.broadcast %min3A_516 : i32 to vector<16xi32>
    %min3A_518 = arith.minsi %get3A_512, %min3A_517 : vector<16xi32>
    %mul3A_519 = arith.constant 100000 : i32
    %mul3A_520 = vector.broadcast %mul3A_519 : i32 to vector<16xi32>
    %mul3A_521 = arith.muli %min3A_518, %mul3A_520 : vector<16xi32>
    %add3A_522 = arith.addi %mul3A_521, %get3A_515 : vector<16xi32>
    %swap3A_523 = arith.constant 480 : index
    %swap3A_524 = tpu.vector_load %arg9[%swap3A_523] {strides = array<i32>} : memref<512xi32, #tpu.memory_space<vmem>>, vector<16xi32>,
    %swap3A_525 = vector.shape_cast %swap3A_524 : vector<16xi32> to vector<16xi32>
    %swap3A_526 = vector.shape_cast %add3A_522 : vector<16xi32> to vector<16xi32>
    tpu.vector_store %arg9[%swap3A_523], %swap3A_526 {strides = array<i32>} : memref<512xi32, #tpu.memory_space<vmem>>, vector<16xi32>,
    %get3A_527 = arith.constant 496 : index
    %get3A_528 = tpu.vector_load %arg7[%get3A_527] {strides = array<i32>} : memref<512xi32, #tpu.memory_space<vmem>>, vector<16xi32>,
    %get3A_529 = vector.shape_cast %get3A_528 : vector<16xi32> to vector<16xi32>
    %get3A_530 = arith.constant 496 : index
    %get3A_531 = tpu.vector_load %arg8[%get3A_530] {strides = array<i32>} : memref<512xi32, #tpu.memory_space<vmem>>, vector<16xi32>,
    %get3A_532 = vector.shape_cast %get3A_531 : vector<16xi32> to vector<16xi32>
    %min3A_533 = arith.constant 2 : i32
    %min3A_534 = vector.broadcast %min3A_533 : i32 to vector<16xi32>
    %min3A_535 = arith.minsi %get3A_529, %min3A_534 : vector<16xi32>
    %mul3A_536 = arith.constant 100000 : i32
    %mul3A_537 = vector.broadcast %mul3A_536 : i32 to vector<16xi32>
    %mul3A_538 = arith.muli %min3A_535, %mul3A_537 : vector<16xi32>
    %add3A_539 = arith.addi %mul3A_538, %get3A_532 : vector<16xi32>
    %swap3A_540 = arith.constant 496 : index
    %swap3A_541 = tpu.vector_load %arg9[%swap3A_540] {strides = array<i32>} : memref<512xi32, #tpu.memory_space<vmem>>, vector<16xi32>,
    %swap3A_542 = vector.shape_cast %swap3A_541 : vector<16xi32> to vector<16xi32>
    %swap3A_543 = vector.shape_cast %add3A_539 : vector<16xi32> to vector<16xi32>
    tpu.vector_store %arg9[%swap3A_540], %swap3A_543 {strides = array<i32>} : memref<512xi32, #tpu.memory_space<vmem>>, vector<16xi32>,
    %scan3A = arith.constant 0 : i32
    %scan3A_544 = arith.constant 0 : i32
    %scan3A_545 = arith.constant 32 : i32
    %scan3A_546 = arith.addi %scan3A_544, %scan3A_545 : i32
    %scan3A_547 = arith.constant 1 : i32
    scf.for %scan3A_555 = %scan3A_544 to %scan3A_546 step %scan3A_547  : i32 {
      %mul3A_556 = arith.constant 16 : i32
      %mul3A_557 = arith.muli %scan3A_555, %mul3A_556 : i32
      %get3A_558 = arith.index_cast %mul3A_557 : i32 to index
      %get3A_559 = tpu.vector_load %arg9[%get3A_558] {strides = array<i32>} : memref<512xi32, #tpu.memory_space<vmem>>, vector<16xi32>,
      %get3A_560 = vector.shape_cast %get3A_559 : vector<16xi32> to vector<16xi32>
      %slice3A = vector.extract_strided_slice %get3A_560 {offsets = [0], sizes = [1], strides = [1]} : vector<16xi32> to vector<1xi32>
      %squeeze3A = vector.extract %slice3A[0] : i32 from vector<1xi32>
      %mul3A_561 = arith.constant 16 : i32
      %mul3A_562 = arith.muli %scan3A_555, %mul3A_561 : i32
      %add3A_563 = arith.constant 0 : i32
      %add3A_564 = arith.addi %mul3A_562, %add3A_563 : i32
      %dma_start3A = arith.constant 0 : i32
      %dma_start3A_565 = tpu.memref_slice %arg10[%add3A_564, %dma_start3A] : memref<512x64xf32, #tpu.memory_space<vmem>> -> memref<1x64xf32, #tpu.memory_space<vmem>>
      %dma_start3A_566 = arith.constant 0 : i32
      %dma_start3A_567 = tpu.memref_slice %arg2[%squeeze3A, %dma_start3A_566] : memref<300000x64xf32, #tpu.memory_space<hbm>> -> memref<1x64xf32, #tpu.memory_space<hbm>>
      %dma_start3A_568 = arith.constant 0 : i32
      %dma_start3A_569 = tpu.memref_slice %arg10[%add3A_564, %dma_start3A_568] : memref<512x64xf32, #tpu.memory_space<vmem>> -> memref<1x64xf32, #tpu.memory_space<vmem>>
      %dma_start3A_570 = arith.constant 0 : i32
      %dma_start3A_571 = tpu.memref_slice %arg2[%squeeze3A, %dma_start3A_570] : memref<300000x64xf32, #tpu.memory_space<hbm>> -> memref<1x64xf32, #tpu.memory_space<hbm>>
      tpu.enqueue_dma source(%dma_start3A_571 : memref<1x64xf32, #tpu.memory_space<hbm>>) target(%dma_start3A_569 : memref<1x64xf32, #tpu.memory_space<vmem>>) target_semaphore(%arg11 : memref<!tpu.dma_semaphore, #tpu.memory_space<semaphore_mem>>)
      %slice3A_572 = vector.extract_strided_slice %get3A_560 {offsets = [1], sizes = [1], strides = [1]} : vector<16xi32> to vector<1xi32>
      %squeeze3A_573 = vector.extract %slice3A_572[0] : i32 from vector<1xi32>
      %mul3A_574 = arith.constant 16 : i32
      %mul3A_575 = arith.muli %scan3A_555, %mul3A_574 : i32
      %add3A_576 = arith.constant 1 : i32
      %add3A_577 = arith.addi %mul3A_575, %add3A_576 : i32
      %dma_start3A_578 = arith.constant 0 : i32
      %dma_start3A_579 = tpu.memref_slice %arg10[%add3A_577, %dma_start3A_578] : memref<512x64xf32, #tpu.memory_space<vmem>> -> memref<1x64xf32, #tpu.memory_space<vmem>>
      %dma_start3A_580 = arith.constant 0 : i32
      %dma_start3A_581 = tpu.memref_slice %arg2[%squeeze3A_573, %dma_start3A_580] : memref<300000x64xf32, #tpu.memory_space<hbm>> -> memref<1x64xf32, #tpu.memory_space<hbm>>
      %dma_start3A_582 = arith.constant 0 : i32
      %dma_start3A_583 = tpu.memref_slice %arg10[%add3A_577, %dma_start3A_582] : memref<512x64xf32, #tpu.memory_space<vmem>> -> memref<1x64xf32, #tpu.memory_space<vmem>>
      %dma_start3A_584 = arith.constant 0 : i32
      %dma_start3A_585 = tpu.memref_slice %arg2[%squeeze3A_573, %dma_start3A_584] : memref<300000x64xf32, #tpu.memory_space<hbm>> -> memref<1x64xf32, #tpu.memory_space<hbm>>
      tpu.enqueue_dma source(%dma_start3A_585 : memref<1x64xf32, #tpu.memory_space<hbm>>) target(%dma_start3A_583 : memref<1x64xf32, #tpu.memory_space<vmem>>) target_semaphore(%arg11 : memref<!tpu.dma_semaphore, #tpu.memory_space<semaphore_mem>>)
      %slice3A_586 = vector.extract_strided_slice %get3A_560 {offsets = [2], sizes = [1], strides = [1]} : vector<16xi32> to vector<1xi32>
      %squeeze3A_587 = vector.extract %slice3A_586[0] : i32 from vector<1xi32>
      %mul3A_588 = arith.constant 16 : i32
      %mul3A_589 = arith.muli %scan3A_555, %mul3A_588 : i32
      %add3A_590 = arith.constant 2 : i32
      %add3A_591 = arith.addi %mul3A_589, %add3A_590 : i32
      %dma_start3A_592 = arith.constant 0 : i32
      %dma_start3A_593 = tpu.memref_slice %arg10[%add3A_591, %dma_start3A_592] : memref<512x64xf32, #tpu.memory_space<vmem>> -> memref<1x64xf32, #tpu.memory_space<vmem>>
      %dma_start3A_594 = arith.constant 0 : i32
      %dma_start3A_595 = tpu.memref_slice %arg2[%squeeze3A_587, %dma_start3A_594] : memref<300000x64xf32, #tpu.memory_space<hbm>> -> memref<1x64xf32, #tpu.memory_space<hbm>>
      %dma_start3A_596 = arith.constant 0 : i32
      %dma_start3A_597 = tpu.memref_slice %arg10[%add3A_591, %dma_start3A_596] : memref<512x64xf32, #tpu.memory_space<vmem>> -> memref<1x64xf32, #tpu.memory_space<vmem>>
      %dma_start3A_598 = arith.constant 0 : i32
      %dma_start3A_599 = tpu.memref_slice %arg2[%squeeze3A_587, %dma_start3A_598] : memref<300000x64xf32, #tpu.memory_space<hbm>> -> memref<1x64xf32, #tpu.memory_space<hbm>>
      tpu.enqueue_dma source(%dma_start3A_599 : memref<1x64xf32, #tpu.memory_space<hbm>>) target(%dma_start3A_597 : memref<1x64xf32, #tpu.memory_space<vmem>>) target_semaphore(%arg11 : memref<!tpu.dma_semaphore, #tpu.memory_space<semaphore_mem>>)
      %slice3A_600 = vector.extract_strided_slice %get3A_560 {offsets = [3], sizes = [1], strides = [1]} : vector<16xi32> to vector<1xi32>
      %squeeze3A_601 = vector.extract %slice3A_600[0] : i32 from vector<1xi32>
      %mul3A_602 = arith.constant 16 : i32
      %mul3A_603 = arith.muli %scan3A_555, %mul3A_602 : i32
      %add3A_604 = arith.constant 3 : i32
      %add3A_605 = arith.addi %mul3A_603, %add3A_604 : i32
      %dma_start3A_606 = arith.constant 0 : i32
      %dma_start3A_607 = tpu.memref_slice %arg10[%add3A_605, %dma_start3A_606] : memref<512x64xf32, #tpu.memory_space<vmem>> -> memref<1x64xf32, #tpu.memory_space<vmem>>
      %dma_start3A_608 = arith.constant 0 : i32
      %dma_start3A_609 = tpu.memref_slice %arg2[%squeeze3A_601, %dma_start3A_608] : memref<300000x64xf32, #tpu.memory_space<hbm>> -> memref<1x64xf32, #tpu.memory_space<hbm>>
      %dma_start3A_610 = arith.constant 0 : i32
      %dma_start3A_611 = tpu.memref_slice %arg10[%add3A_605, %dma_start3A_610] : memref<512x64xf32, #tpu.memory_space<vmem>> -> memref<1x64xf32, #tpu.memory_space<vmem>>
      %dma_start3A_612 = arith.constant 0 : i32
      %dma_start3A_613 = tpu.memref_slice %arg2[%squeeze3A_601, %dma_start3A_612] : memref<300000x64xf32, #tpu.memory_space<hbm>> -> memref<1x64xf32, #tpu.memory_space<hbm>>
      tpu.enqueue_dma source(%dma_start3A_613 : memref<1x64xf32, #tpu.memory_space<hbm>>) target(%dma_start3A_611 : memref<1x64xf32, #tpu.memory_space<vmem>>) target_semaphore(%arg11 : memref<!tpu.dma_semaphore, #tpu.memory_space<semaphore_mem>>)
      %slice3A_614 = vector.extract_strided_slice %get3A_560 {offsets = [4], sizes = [1], strides = [1]} : vector<16xi32> to vector<1xi32>
      %squeeze3A_615 = vector.extract %slice3A_614[0] : i32 from vector<1xi32>
      %mul3A_616 = arith.constant 16 : i32
      %mul3A_617 = arith.muli %scan3A_555, %mul3A_616 : i32
      %add3A_618 = arith.constant 4 : i32
      %add3A_619 = arith.addi %mul3A_617, %add3A_618 : i32
      %dma_start3A_620 = arith.constant 0 : i32
      %dma_start3A_621 = tpu.memref_slice %arg10[%add3A_619, %dma_start3A_620] : memref<512x64xf32, #tpu.memory_space<vmem>> -> memref<1x64xf32, #tpu.memory_space<vmem>>
      %dma_start3A_622 = arith.constant 0 : i32
      %dma_start3A_623 = tpu.memref_slice %arg2[%squeeze3A_615, %dma_start3A_622] : memref<300000x64xf32, #tpu.memory_space<hbm>> -> memref<1x64xf32, #tpu.memory_space<hbm>>
      %dma_start3A_624 = arith.constant 0 : i32
      %dma_start3A_625 = tpu.memref_slice %arg10[%add3A_619, %dma_start3A_624] : memref<512x64xf32, #tpu.memory_space<vmem>> -> memref<1x64xf32, #tpu.memory_space<vmem>>
      %dma_start3A_626 = arith.constant 0 : i32
      %dma_start3A_627 = tpu.memref_slice %arg2[%squeeze3A_615, %dma_start3A_626] : memref<300000x64xf32, #tpu.memory_space<hbm>> -> memref<1x64xf32, #tpu.memory_space<hbm>>
      tpu.enqueue_dma source(%dma_start3A_627 : memref<1x64xf32, #tpu.memory_space<hbm>>) target(%dma_start3A_625 : memref<1x64xf32, #tpu.memory_space<vmem>>) target_semaphore(%arg11 : memref<!tpu.dma_semaphore, #tpu.memory_space<semaphore_mem>>)
      %slice3A_628 = vector.extract_strided_slice %get3A_560 {offsets = [5], sizes = [1], strides = [1]} : vector<16xi32> to vector<1xi32>
      %squeeze3A_629 = vector.extract %slice3A_628[0] : i32 from vector<1xi32>
      %mul3A_630 = arith.constant 16 : i32
      %mul3A_631 = arith.muli %scan3A_555, %mul3A_630 : i32
      %add3A_632 = arith.constant 5 : i32
      %add3A_633 = arith.addi %mul3A_631, %add3A_632 : i32
      %dma_start3A_634 = arith.constant 0 : i32
      %dma_start3A_635 = tpu.memref_slice %arg10[%add3A_633, %dma_start3A_634] : memref<512x64xf32, #tpu.memory_space<vmem>> -> memref<1x64xf32, #tpu.memory_space<vmem>>
      %dma_start3A_636 = arith.constant 0 : i32
      %dma_start3A_637 = tpu.memref_slice %arg2[%squeeze3A_629, %dma_start3A_636] : memref<300000x64xf32, #tpu.memory_space<hbm>> -> memref<1x64xf32, #tpu.memory_space<hbm>>
      %dma_start3A_638 = arith.constant 0 : i32
      %dma_start3A_639 = tpu.memref_slice %arg10[%add3A_633, %dma_start3A_638] : memref<512x64xf32, #tpu.memory_space<vmem>> -> memref<1x64xf32, #tpu.memory_space<vmem>>
      %dma_start3A_640 = arith.constant 0 : i32
      %dma_start3A_641 = tpu.memref_slice %arg2[%squeeze3A_629, %dma_start3A_640] : memref<300000x64xf32, #tpu.memory_space<hbm>> -> memref<1x64xf32, #tpu.memory_space<hbm>>
      tpu.enqueue_dma source(%dma_start3A_641 : memref<1x64xf32, #tpu.memory_space<hbm>>) target(%dma_start3A_639 : memref<1x64xf32, #tpu.memory_space<vmem>>) target_semaphore(%arg11 : memref<!tpu.dma_semaphore, #tpu.memory_space<semaphore_mem>>)
      %slice3A_642 = vector.extract_strided_slice %get3A_560 {offsets = [6], sizes = [1], strides = [1]} : vector<16xi32> to vector<1xi32>
      %squeeze3A_643 = vector.extract %slice3A_642[0] : i32 from vector<1xi32>
      %mul3A_644 = arith.constant 16 : i32
      %mul3A_645 = arith.muli %scan3A_555, %mul3A_644 : i32
      %add3A_646 = arith.constant 6 : i32
      %add3A_647 = arith.addi %mul3A_645, %add3A_646 : i32
      %dma_start3A_648 = arith.constant 0 : i32
      %dma_start3A_649 = tpu.memref_slice %arg10[%add3A_647, %dma_start3A_648] : memref<512x64xf32, #tpu.memory_space<vmem>> -> memref<1x64xf32, #tpu.memory_space<vmem>>
      %dma_start3A_650 = arith.constant 0 : i32
      %dma_start3A_651 = tpu.memref_slice %arg2[%squeeze3A_643, %dma_start3A_650] : memref<300000x64xf32, #tpu.memory_space<hbm>> -> memref<1x64xf32, #tpu.memory_space<hbm>>
      %dma_start3A_652 = arith.constant 0 : i32
      %dma_start3A_653 = tpu.memref_slice %arg10[%add3A_647, %dma_start3A_652] : memref<512x64xf32, #tpu.memory_space<vmem>> -> memref<1x64xf32, #tpu.memory_space<vmem>>
      %dma_start3A_654 = arith.constant 0 : i32
      %dma_start3A_655 = tpu.memref_slice %arg2[%squeeze3A_643, %dma_start3A_654] : memref<300000x64xf32, #tpu.memory_space<hbm>> -> memref<1x64xf32, #tpu.memory_space<hbm>>
      tpu.enqueue_dma source(%dma_start3A_655 : memref<1x64xf32, #tpu.memory_space<hbm>>) target(%dma_start3A_653 : memref<1x64xf32, #tpu.memory_space<vmem>>) target_semaphore(%arg11 : memref<!tpu.dma_semaphore, #tpu.memory_space<semaphore_mem>>)
      %slice3A_656 = vector.extract_strided_slice %get3A_560 {offsets = [7], sizes = [1], strides = [1]} : vector<16xi32> to vector<1xi32>
      %squeeze3A_657 = vector.extract %slice3A_656[0] : i32 from vector<1xi32>
      %mul3A_658 = arith.constant 16 : i32
      %mul3A_659 = arith.muli %scan3A_555, %mul3A_658 : i32
      %add3A_660 = arith.constant 7 : i32
      %add3A_661 = arith.addi %mul3A_659, %add3A_660 : i32
      %dma_start3A_662 = arith.constant 0 : i32
      %dma_start3A_663 = tpu.memref_slice %arg10[%add3A_661, %dma_start3A_662] : memref<512x64xf32, #tpu.memory_space<vmem>> -> memref<1x64xf32, #tpu.memory_space<vmem>>
      %dma_start3A_664 = arith.constant 0 : i32
      %dma_start3A_665 = tpu.memref_slice %arg2[%squeeze3A_657, %dma_start3A_664] : memref<300000x64xf32, #tpu.memory_space<hbm>> -> memref<1x64xf32, #tpu.memory_space<hbm>>
      %dma_start3A_666 = arith.constant 0 : i32
      %dma_start3A_667 = tpu.memref_slice %arg10[%add3A_661, %dma_start3A_666] : memref<512x64xf32, #tpu.memory_space<vmem>> -> memref<1x64xf32, #tpu.memory_space<vmem>>
      %dma_start3A_668 = arith.constant 0 : i32
      %dma_start3A_669 = tpu.memref_slice %arg2[%squeeze3A_657, %dma_start3A_668] : memref<300000x64xf32, #tpu.memory_space<hbm>> -> memref<1x64xf32, #tpu.memory_space<hbm>>
      tpu.enqueue_dma source(%dma_start3A_669 : memref<1x64xf32, #tpu.memory_space<hbm>>) target(%dma_start3A_667 : memref<1x64xf32, #tpu.memory_space<vmem>>) target_semaphore(%arg11 : memref<!tpu.dma_semaphore, #tpu.memory_space<semaphore_mem>>)
      %slice3A_670 = vector.extract_strided_slice %get3A_560 {offsets = [8], sizes = [1], strides = [1]} : vector<16xi32> to vector<1xi32>
      %squeeze3A_671 = vector.extract %slice3A_670[0] : i32 from vector<1xi32>
      %mul3A_672 = arith.constant 16 : i32
      %mul3A_673 = arith.muli %scan3A_555, %mul3A_672 : i32
      %add3A_674 = arith.constant 8 : i32
      %add3A_675 = arith.addi %mul3A_673, %add3A_674 : i32
      %dma_start3A_676 = arith.constant 0 : i32
      %dma_start3A_677 = tpu.memref_slice %arg10[%add3A_675, %dma_start3A_676] : memref<512x64xf32, #tpu.memory_space<vmem>> -> memref<1x64xf32, #tpu.memory_space<vmem>>
      %dma_start3A_678 = arith.constant 0 : i32
      %dma_start3A_679 = tpu.memref_slice %arg2[%squeeze3A_671, %dma_start3A_678] : memref<300000x64xf32, #tpu.memory_space<hbm>> -> memref<1x64xf32, #tpu.memory_space<hbm>>
      %dma_start3A_680 = arith.constant 0 : i32
      %dma_start3A_681 = tpu.memref_slice %arg10[%add3A_675, %dma_start3A_680] : memref<512x64xf32, #tpu.memory_space<vmem>> -> memref<1x64xf32, #tpu.memory_space<vmem>>
      %dma_start3A_682 = arith.constant 0 : i32
      %dma_start3A_683 = tpu.memref_slice %arg2[%squeeze3A_671, %dma_start3A_682] : memref<300000x64xf32, #tpu.memory_space<hbm>> -> memref<1x64xf32, #tpu.memory_space<hbm>>
      tpu.enqueue_dma source(%dma_start3A_683 : memref<1x64xf32, #tpu.memory_space<hbm>>) target(%dma_start3A_681 : memref<1x64xf32, #tpu.memory_space<vmem>>) target_semaphore(%arg11 : memref<!tpu.dma_semaphore, #tpu.memory_space<semaphore_mem>>)
      %slice3A_684 = vector.extract_strided_slice %get3A_560 {offsets = [9], sizes = [1], strides = [1]} : vector<16xi32> to vector<1xi32>
      %squeeze3A_685 = vector.extract %slice3A_684[0] : i32 from vector<1xi32>
      %mul3A_686 = arith.constant 16 : i32
      %mul3A_687 = arith.muli %scan3A_555, %mul3A_686 : i32
      %add3A_688 = arith.constant 9 : i32
      %add3A_689 = arith.addi %mul3A_687, %add3A_688 : i32
      %dma_start3A_690 = arith.constant 0 : i32
      %dma_start3A_691 = tpu.memref_slice %arg10[%add3A_689, %dma_start3A_690] : memref<512x64xf32, #tpu.memory_space<vmem>> -> memref<1x64xf32, #tpu.memory_space<vmem>>
      %dma_start3A_692 = arith.constant 0 : i32
      %dma_start3A_693 = tpu.memref_slice %arg2[%squeeze3A_685, %dma_start3A_692] : memref<300000x64xf32, #tpu.memory_space<hbm>> -> memref<1x64xf32, #tpu.memory_space<hbm>>
      %dma_start3A_694 = arith.constant 0 : i32
      %dma_start3A_695 = tpu.memref_slice %arg10[%add3A_689, %dma_start3A_694] : memref<512x64xf32, #tpu.memory_space<vmem>> -> memref<1x64xf32, #tpu.memory_space<vmem>>
      %dma_start3A_696 = arith.constant 0 : i32
      %dma_start3A_697 = tpu.memref_slice %arg2[%squeeze3A_685, %dma_start3A_696] : memref<300000x64xf32, #tpu.memory_space<hbm>> -> memref<1x64xf32, #tpu.memory_space<hbm>>
      tpu.enqueue_dma source(%dma_start3A_697 : memref<1x64xf32, #tpu.memory_space<hbm>>) target(%dma_start3A_695 : memref<1x64xf32, #tpu.memory_space<vmem>>) target_semaphore(%arg11 : memref<!tpu.dma_semaphore, #tpu.memory_space<semaphore_mem>>)
      %slice3A_698 = vector.extract_strided_slice %get3A_560 {offsets = [10], sizes = [1], strides = [1]} : vector<16xi32> to vector<1xi32>
      %squeeze3A_699 = vector.extract %slice3A_698[0] : i32 from vector<1xi32>
      %mul3A_700 = arith.constant 16 : i32
      %mul3A_701 = arith.muli %scan3A_555, %mul3A_700 : i32
      %add3A_702 = arith.constant 10 : i32
      %add3A_703 = arith.addi %mul3A_701, %add3A_702 : i32
      %dma_start3A_704 = arith.constant 0 : i32
      %dma_start3A_705 = tpu.memref_slice %arg10[%add3A_703, %dma_start3A_704] : memref<512x64xf32, #tpu.memory_space<vmem>> -> memref<1x64xf32, #tpu.memory_space<vmem>>
      %dma_start3A_706 = arith.constant 0 : i32
      %dma_start3A_707 = tpu.memref_slice %arg2[%squeeze3A_699, %dma_start3A_706] : memref<300000x64xf32, #tpu.memory_space<hbm>> -> memref<1x64xf32, #tpu.memory_space<hbm>>
      %dma_start3A_708 = arith.constant 0 : i32
      %dma_start3A_709 = tpu.memref_slice %arg10[%add3A_703, %dma_start3A_708] : memref<512x64xf32, #tpu.memory_space<vmem>> -> memref<1x64xf32, #tpu.memory_space<vmem>>
      %dma_start3A_710 = arith.constant 0 : i32
      %dma_start3A_711 = tpu.memref_slice %arg2[%squeeze3A_699, %dma_start3A_710] : memref<300000x64xf32, #tpu.memory_space<hbm>> -> memref<1x64xf32, #tpu.memory_space<hbm>>
      tpu.enqueue_dma source(%dma_start3A_711 : memref<1x64xf32, #tpu.memory_space<hbm>>) target(%dma_start3A_709 : memref<1x64xf32, #tpu.memory_space<vmem>>) target_semaphore(%arg11 : memref<!tpu.dma_semaphore, #tpu.memory_space<semaphore_mem>>)
      %slice3A_712 = vector.extract_strided_slice %get3A_560 {offsets = [11], sizes = [1], strides = [1]} : vector<16xi32> to vector<1xi32>
      %squeeze3A_713 = vector.extract %slice3A_712[0] : i32 from vector<1xi32>
      %mul3A_714 = arith.constant 16 : i32
      %mul3A_715 = arith.muli %scan3A_555, %mul3A_714 : i32
      %add3A_716 = arith.constant 11 : i32
      %add3A_717 = arith.addi %mul3A_715, %add3A_716 : i32
      %dma_start3A_718 = arith.constant 0 : i32
      %dma_start3A_719 = tpu.memref_slice %arg10[%add3A_717, %dma_start3A_718] : memref<512x64xf32, #tpu.memory_space<vmem>> -> memref<1x64xf32, #tpu.memory_space<vmem>>
      %dma_start3A_720 = arith.constant 0 : i32
      %dma_start3A_721 = tpu.memref_slice %arg2[%squeeze3A_713, %dma_start3A_720] : memref<300000x64xf32, #tpu.memory_space<hbm>> -> memref<1x64xf32, #tpu.memory_space<hbm>>
      %dma_start3A_722 = arith.constant 0 : i32
      %dma_start3A_723 = tpu.memref_slice %arg10[%add3A_717, %dma_start3A_722] : memref<512x64xf32, #tpu.memory_space<vmem>> -> memref<1x64xf32, #tpu.memory_space<vmem>>
      %dma_start3A_724 = arith.constant 0 : i32
      %dma_start3A_725 = tpu.memref_slice %arg2[%squeeze3A_713, %dma_start3A_724] : memref<300000x64xf32, #tpu.memory_space<hbm>> -> memref<1x64xf32, #tpu.memory_space<hbm>>
      tpu.enqueue_dma source(%dma_start3A_725 : memref<1x64xf32, #tpu.memory_space<hbm>>) target(%dma_start3A_723 : memref<1x64xf32, #tpu.memory_space<vmem>>) target_semaphore(%arg11 : memref<!tpu.dma_semaphore, #tpu.memory_space<semaphore_mem>>)
      %slice3A_726 = vector.extract_strided_slice %get3A_560 {offsets = [12], sizes = [1], strides = [1]} : vector<16xi32> to vector<1xi32>
      %squeeze3A_727 = vector.extract %slice3A_726[0] : i32 from vector<1xi32>
      %mul3A_728 = arith.constant 16 : i32
      %mul3A_729 = arith.muli %scan3A_555, %mul3A_728 : i32
      %add3A_730 = arith.constant 12 : i32
      %add3A_731 = arith.addi %mul3A_729, %add3A_730 : i32
      %dma_start3A_732 = arith.constant 0 : i32
      %dma_start3A_733 = tpu.memref_slice %arg10[%add3A_731, %dma_start3A_732] : memref<512x64xf32, #tpu.memory_space<vmem>> -> memref<1x64xf32, #tpu.memory_space<vmem>>
      %dma_start3A_734 = arith.constant 0 : i32
      %dma_start3A_735 = tpu.memref_slice %arg2[%squeeze3A_727, %dma_start3A_734] : memref<300000x64xf32, #tpu.memory_space<hbm>> -> memref<1x64xf32, #tpu.memory_space<hbm>>
      %dma_start3A_736 = arith.constant 0 : i32
      %dma_start3A_737 = tpu.memref_slice %arg10[%add3A_731, %dma_start3A_736] : memref<512x64xf32, #tpu.memory_space<vmem>> -> memref<1x64xf32, #tpu.memory_space<vmem>>
      %dma_start3A_738 = arith.constant 0 : i32
      %dma_start3A_739 = tpu.memref_slice %arg2[%squeeze3A_727, %dma_start3A_738] : memref<300000x64xf32, #tpu.memory_space<hbm>> -> memref<1x64xf32, #tpu.memory_space<hbm>>
      tpu.enqueue_dma source(%dma_start3A_739 : memref<1x64xf32, #tpu.memory_space<hbm>>) target(%dma_start3A_737 : memref<1x64xf32, #tpu.memory_space<vmem>>) target_semaphore(%arg11 : memref<!tpu.dma_semaphore, #tpu.memory_space<semaphore_mem>>)
      %slice3A_740 = vector.extract_strided_slice %get3A_560 {offsets = [13], sizes = [1], strides = [1]} : vector<16xi32> to vector<1xi32>
      %squeeze3A_741 = vector.extract %slice3A_740[0] : i32 from vector<1xi32>
      %mul3A_742 = arith.constant 16 : i32
      %mul3A_743 = arith.muli %scan3A_555, %mul3A_742 : i32
      %add3A_744 = arith.constant 13 : i32
      %add3A_745 = arith.addi %mul3A_743, %add3A_744 : i32
      %dma_start3A_746 = arith.constant 0 : i32
      %dma_start3A_747 = tpu.memref_slice %arg10[%add3A_745, %dma_start3A_746] : memref<512x64xf32, #tpu.memory_space<vmem>> -> memref<1x64xf32, #tpu.memory_space<vmem>>
      %dma_start3A_748 = arith.constant 0 : i32
      %dma_start3A_749 = tpu.memref_slice %arg2[%squeeze3A_741, %dma_start3A_748] : memref<300000x64xf32, #tpu.memory_space<hbm>> -> memref<1x64xf32, #tpu.memory_space<hbm>>
      %dma_start3A_750 = arith.constant 0 : i32
      %dma_start3A_751 = tpu.memref_slice %arg10[%add3A_745, %dma_start3A_750] : memref<512x64xf32, #tpu.memory_space<vmem>> -> memref<1x64xf32, #tpu.memory_space<vmem>>
      %dma_start3A_752 = arith.constant 0 : i32
      %dma_start3A_753 = tpu.memref_slice %arg2[%squeeze3A_741, %dma_start3A_752] : memref<300000x64xf32, #tpu.memory_space<hbm>> -> memref<1x64xf32, #tpu.memory_space<hbm>>
      tpu.enqueue_dma source(%dma_start3A_753 : memref<1x64xf32, #tpu.memory_space<hbm>>) target(%dma_start3A_751 : memref<1x64xf32, #tpu.memory_space<vmem>>) target_semaphore(%arg11 : memref<!tpu.dma_semaphore, #tpu.memory_space<semaphore_mem>>)
      %slice3A_754 = vector.extract_strided_slice %get3A_560 {offsets = [14], sizes = [1], strides = [1]} : vector<16xi32> to vector<1xi32>
      %squeeze3A_755 = vector.extract %slice3A_754[0] : i32 from vector<1xi32>
      %mul3A_756 = arith.constant 16 : i32
      %mul3A_757 = arith.muli %scan3A_555, %mul3A_756 : i32
      %add3A_758 = arith.constant 14 : i32
      %add3A_759 = arith.addi %mul3A_757, %add3A_758 : i32
      %dma_start3A_760 = arith.constant 0 : i32
      %dma_start3A_761 = tpu.memref_slice %arg10[%add3A_759, %dma_start3A_760] : memref<512x64xf32, #tpu.memory_space<vmem>> -> memref<1x64xf32, #tpu.memory_space<vmem>>
      %dma_start3A_762 = arith.constant 0 : i32
      %dma_start3A_763 = tpu.memref_slice %arg2[%squeeze3A_755, %dma_start3A_762] : memref<300000x64xf32, #tpu.memory_space<hbm>> -> memref<1x64xf32, #tpu.memory_space<hbm>>
      %dma_start3A_764 = arith.constant 0 : i32
      %dma_start3A_765 = tpu.memref_slice %arg10[%add3A_759, %dma_start3A_764] : memref<512x64xf32, #tpu.memory_space<vmem>> -> memref<1x64xf32, #tpu.memory_space<vmem>>
      %dma_start3A_766 = arith.constant 0 : i32
      %dma_start3A_767 = tpu.memref_slice %arg2[%squeeze3A_755, %dma_start3A_766] : memref<300000x64xf32, #tpu.memory_space<hbm>> -> memref<1x64xf32, #tpu.memory_space<hbm>>
      tpu.enqueue_dma source(%dma_start3A_767 : memref<1x64xf32, #tpu.memory_space<hbm>>) target(%dma_start3A_765 : memref<1x64xf32, #tpu.memory_space<vmem>>) target_semaphore(%arg11 : memref<!tpu.dma_semaphore, #tpu.memory_space<semaphore_mem>>)
      %slice3A_768 = vector.extract_strided_slice %get3A_560 {offsets = [15], sizes = [1], strides = [1]} : vector<16xi32> to vector<1xi32>
      %squeeze3A_769 = vector.extract %slice3A_768[0] : i32 from vector<1xi32>
      %mul3A_770 = arith.constant 16 : i32
      %mul3A_771 = arith.muli %scan3A_555, %mul3A_770 : i32
      %add3A_772 = arith.constant 15 : i32
      %add3A_773 = arith.addi %mul3A_771, %add3A_772 : i32
      %dma_start3A_774 = arith.constant 0 : i32
      %dma_start3A_775 = tpu.memref_slice %arg10[%add3A_773, %dma_start3A_774] : memref<512x64xf32, #tpu.memory_space<vmem>> -> memref<1x64xf32, #tpu.memory_space<vmem>>
      %dma_start3A_776 = arith.constant 0 : i32
      %dma_start3A_777 = tpu.memref_slice %arg2[%squeeze3A_769, %dma_start3A_776] : memref<300000x64xf32, #tpu.memory_space<hbm>> -> memref<1x64xf32, #tpu.memory_space<hbm>>
      %dma_start3A_778 = arith.constant 0 : i32
      %dma_start3A_779 = tpu.memref_slice %arg10[%add3A_773, %dma_start3A_778] : memref<512x64xf32, #tpu.memory_space<vmem>> -> memref<1x64xf32, #tpu.memory_space<vmem>>
      %dma_start3A_780 = arith.constant 0 : i32
      %dma_start3A_781 = tpu.memref_slice %arg2[%squeeze3A_769, %dma_start3A_780] : memref<300000x64xf32, #tpu.memory_space<hbm>> -> memref<1x64xf32, #tpu.memory_space<hbm>>
      tpu.enqueue_dma source(%dma_start3A_781 : memref<1x64xf32, #tpu.memory_space<hbm>>) target(%dma_start3A_779 : memref<1x64xf32, #tpu.memory_space<vmem>>) target_semaphore(%arg11 : memref<!tpu.dma_semaphore, #tpu.memory_space<semaphore_mem>>)
    }
    %scan3A_548 = arith.constant 32 : i32
    %scan3A_549 = arith.constant 0 : i32
    %scan3A_550 = arith.constant 0 : i32
    %scan3A_551 = arith.constant 512 : i32
    %scan3A_552 = arith.addi %scan3A_550, %scan3A_551 : i32
    %scan3A_553 = arith.constant 1 : i32
    scf.for %scan3A_555 = %scan3A_550 to %scan3A_552 step %scan3A_553  : i32 {
      %dma_wait3A = arith.constant 0 : i32
      %dma_wait3A_556 = tpu.memref_slice %arg10[%scan3A_555, %dma_wait3A] : memref<512x64xf32, #tpu.memory_space<vmem>> -> memref<1x64xf32, #tpu.memory_space<vmem>>
      %dma_wait3A_557 = arith.constant 0 : i32
      %dma_wait3A_558 = arith.constant 0 : i32
      %dma_wait3A_559 = tpu.memref_slice %arg2[%dma_wait3A_557, %dma_wait3A_558] : memref<300000x64xf32, #tpu.memory_space<hbm>> -> memref<1x64xf32, #tpu.memory_space<hbm>>
      %dma_wait3A_560 = arith.constant 0 : i32
      %dma_wait3A_561 = tpu.memref_slice %arg10[%scan3A_555, %dma_wait3A_560] : memref<512x64xf32, #tpu.memory_space<vmem>> -> memref<1x64xf32, #tpu.memory_space<vmem>>
      %dma_wait3A_562 = arith.constant 0 : i32
      %dma_wait3A_563 = arith.constant 0 : i32
      %dma_wait3A_564 = tpu.memref_slice %arg2[%dma_wait3A_562, %dma_wait3A_563] : memref<300000x64xf32, #tpu.memory_space<hbm>> -> memref<1x64xf32, #tpu.memory_space<hbm>>
      tpu.wait_dma2 semaphore(%arg11 : memref<!tpu.dma_semaphore, #tpu.memory_space<semaphore_mem>>) src(%dma_wait3A_564 : memref<1x64xf32, #tpu.memory_space<hbm>>) dst(%dma_wait3A_561 : memref<1x64xf32, #tpu.memory_space<vmem>>)
    }
    %scan3A_554 = arith.constant 512 : i32
    "tpu.region"() ({
      %run_scoped3A = tpu.sem_alloc : memref<!tpu.dma_semaphore, #tpu.memory_space<semaphore_mem>>
      %dma_start3A = arith.constant 0 : i32
      %dma_start3A_555 = tpu.memref_slice %arg6[%mul3A_2, %dma_start3A] : memref<16384x64xf32, #tpu.memory_space<hbm>> -> memref<512x64xf32, #tpu.memory_space<hbm>>
      %dma_start3A_556 = arith.constant 0 : i32
      %dma_start3A_557 = tpu.memref_slice %arg6[%mul3A_2, %dma_start3A_556] : memref<16384x64xf32, #tpu.memory_space<hbm>> -> memref<512x64xf32, #tpu.memory_space<hbm>>
      tpu.enqueue_dma source(%arg10 : memref<512x64xf32, #tpu.memory_space<vmem>>) target(%dma_start3A_557 : memref<512x64xf32, #tpu.memory_space<hbm>>) target_semaphore(%run_scoped3A : memref<!tpu.dma_semaphore, #tpu.memory_space<semaphore_mem>>)
      %dma_wait3A = arith.constant 0 : i32
      %dma_wait3A_558 = tpu.memref_slice %arg6[%mul3A_2, %dma_wait3A] : memref<16384x64xf32, #tpu.memory_space<hbm>> -> memref<512x64xf32, #tpu.memory_space<hbm>>
      %dma_wait3A_559 = arith.constant 0 : i32
      %dma_wait3A_560 = tpu.memref_slice %arg6[%mul3A_2, %dma_wait3A_559] : memref<16384x64xf32, #tpu.memory_space<hbm>> -> memref<512x64xf32, #tpu.memory_space<hbm>>
      tpu.wait_dma2 semaphore(%run_scoped3A : memref<!tpu.dma_semaphore, #tpu.memory_space<semaphore_mem>>) src(%arg10 : memref<512x64xf32, #tpu.memory_space<vmem>>) dst(%dma_wait3A_560 : memref<512x64xf32, #tpu.memory_space<hbm>>)
      tpu.yield
    }) : () -> ()
    return
  }
}

module attributes {stable_mosaic.version = 14 : i64} {
  func.func @_tc_dense_body(%arg0: i32, %arg1: memref<1x1x512xi32, #tpu.memory_space<vmem>>, %arg2: memref<1x1x512xf32, #tpu.memory_space<vmem>>, %arg3: memref<371x512xf32, #tpu.memory_space<vmem>>, %arg4: memref<64x2xf32, #tpu.memory_space<vmem>>, %arg5: memref<64x2xf32, #tpu.memory_space<vmem>>, %arg6: memref<371x64xf32, #tpu.memory_space<vmem>>, %arg7: memref<64x1xf32, #tpu.memory_space<vmem>>, %arg8: memref<64x512xf32, #tpu.memory_space<vmem>>) attributes {dimension_semantics = [#tpu.dimension_semantics<arbitrary>], iteration_bounds = array<i64: 32>, scalar_prefetch = 0 : i64, scratch_operands = 0 : i64, tpu.core_type = #tpu.core_type<tc>, window_params = [{transform_indices = @transform_0, window_bounds = array<i64: 1, 1, 512>}, {transform_indices = @transform_1, window_bounds = array<i64: 1, 1, 512>}, {transform_indices = @transform_2, window_bounds = array<i64: 371, 512>}, {pipeline_mode = #tpu.pipeline_mode<synchronous>, transform_indices = @transform_3, window_bounds = array<i64: 64, 2>}, {pipeline_mode = #tpu.pipeline_mode<synchronous>, transform_indices = @transform_4, window_bounds = array<i64: 64, 2>}, {pipeline_mode = #tpu.pipeline_mode<synchronous>, transform_indices = @transform_5, window_bounds = array<i64: 371, 64>}, {pipeline_mode = #tpu.pipeline_mode<synchronous>, transform_indices = @transform_6, window_bounds = array<i64: 64, 1>}, {transform_indices = @transform_7, window_bounds = array<i64: 64, 512>}]} {
    %get3A = arith.constant 0 : index
    %get3A_0 = arith.constant 0 : index
    %get3A_1 = arith.constant 0 : index
    %get3A_2 = vector.load %arg1[%get3A, %get3A_0, %get3A_1] : memref<1x1x512xi32, #tpu.memory_space<vmem>>, vector<1x1x512xi32>
    %get3A_3 = vector.shape_cast %get3A_2 : vector<1x1x512xi32> to vector<1x512xi32>
    %get3A_4 = arith.constant 0 : index
    %get3A_5 = arith.constant 0 : index
    %get3A_6 = arith.constant 0 : index
    %get3A_7 = vector.load %arg2[%get3A_4, %get3A_5, %get3A_6] : memref<1x1x512xf32, #tpu.memory_space<vmem>>, vector<1x1x512xf32>
    %get3A_8 = vector.shape_cast %get3A_7 : vector<1x1x512xf32> to vector<1x512xf32>
    %get3A_9 = arith.constant 0 : index
    %get3A_10 = arith.constant 0 : index
    %get3A_11 = vector.load %arg6[%get3A_9, %get3A_10] : memref<371x64xf32, #tpu.memory_space<vmem>>, vector<371x64xf32>
    %get3A_12 = arith.constant 0 : index
    %get3A_13 = arith.constant 0 : index
    %get3A_14 = vector.load %arg3[%get3A_12, %get3A_13] : memref<371x512xf32, #tpu.memory_space<vmem>>, vector<371x512xf32>
    %dot_general3A = arith.constant dense<0.000000e+00> : vector<64x512xf32>
    %dot_general3A_15 = tpu.matmul %get3A_11, %get3A_14, %dot_general3A {dimension_numbers = #tpu.dot_dimension_numbers<[0], [0], [1], [1], [0, 1, 1, 1], [], []>, transpose_lhs_hint = false} : vector<371x64xf32>, vector<371x512xf32>, vector<64x512xf32> -> vector<64x512xf32>
    %get3A_16 = arith.constant 0 : index
    %get3A_17 = arith.constant 0 : index
    %get3A_18 = vector.load %arg7[%get3A_16, %get3A_17] : memref<64x1xf32, #tpu.memory_space<vmem>>, vector<64x1xf32>
    %add3A = vector.broadcast %get3A_18 : vector<64x1xf32> to vector<64x512xf32>
    %add3A_19 = arith.addf %dot_general3A_15, %add3A : vector<64x512xf32>
    %get3A_20 = arith.constant 0 : index
    %get3A_21 = arith.constant 0 : index
    %get3A_22 = vector.load %arg4[%get3A_20, %get3A_21] : memref<64x2xf32, #tpu.memory_space<vmem>>, vector<64x1xf32>
    %get3A_23 = arith.constant 0 : index
    %get3A_24 = arith.constant 1 : index
    %get3A_25 = vector.load %arg4[%get3A_23, %get3A_24] : memref<64x2xf32, #tpu.memory_space<vmem>>, vector<64x1xf32>
    %get3A_26 = arith.constant 0 : index
    %get3A_27 = arith.constant 0 : index
    %get3A_28 = vector.load %arg5[%get3A_26, %get3A_27] : memref<64x2xf32, #tpu.memory_space<vmem>>, vector<64x1xf32>
    %get3A_29 = arith.constant 0 : index
    %get3A_30 = arith.constant 1 : index
    %get3A_31 = vector.load %arg5[%get3A_29, %get3A_30] : memref<64x2xf32, #tpu.memory_space<vmem>>, vector<64x1xf32>
    %le3A = arith.constant 3 : i32
    %le3A_32 = vector.broadcast %le3A : i32 to vector<1x512xi32>
    %le3A_33 = arith.cmpi sle, %get3A_3, %le3A_32 : vector<1x512xi32>
    %mul3A = vector.broadcast %get3A_8 : vector<1x512xf32> to vector<64x512xf32>
    %mul3A_34 = vector.broadcast %get3A_22 : vector<64x1xf32> to vector<64x512xf32>
    %mul3A_35 = arith.mulf %mul3A, %mul3A_34 : vector<64x512xf32>
    %add3A_36 = vector.broadcast %get3A_28 : vector<64x1xf32> to vector<64x512xf32>
    %add3A_37 = arith.addf %mul3A_35, %add3A_36 : vector<64x512xf32>
    %mul3A_38 = vector.broadcast %get3A_8 : vector<1x512xf32> to vector<64x512xf32>
    %mul3A_39 = vector.broadcast %get3A_25 : vector<64x1xf32> to vector<64x512xf32>
    %mul3A_40 = arith.mulf %mul3A_38, %mul3A_39 : vector<64x512xf32>
    %add3A_41 = vector.broadcast %get3A_31 : vector<64x1xf32> to vector<64x512xf32>
    %add3A_42 = arith.addf %mul3A_40, %add3A_41 : vector<64x512xf32>
    %broadcast_in_dim3A = vector.shape_cast %le3A_33 : vector<1x512xi1> to vector<1x512xi1>
    %broadcast_in_dim3A_43 = vector.broadcast %broadcast_in_dim3A : vector<1x512xi1> to vector<64x512xi1>
    %select_n3A = arith.select %broadcast_in_dim3A_43, %add3A_37, %add3A_42 : vector<64x512xi1>, vector<64x512xf32>
    %lt3A = arith.constant 5 : i32
    %lt3A_44 = vector.broadcast %lt3A : i32 to vector<1x512xi32>
    %lt3A_45 = arith.cmpi slt, %get3A_3, %lt3A_44 : vector<1x512xi32>
    %broadcast_in_dim3A_46 = vector.shape_cast %lt3A_45 : vector<1x512xi1> to vector<1x512xi1>
    %broadcast_in_dim3A_47 = vector.broadcast %broadcast_in_dim3A_46 : vector<1x512xi1> to vector<64x512xi1>
    %select_n3A_48 = arith.select %broadcast_in_dim3A_47, %select_n3A, %add3A_19 : vector<64x512xi1>, vector<64x512xf32>
    %swap3A = arith.constant 0 : index
    %swap3A_49 = arith.constant 0 : index
    %swap3A_50 = vector.load %arg8[%swap3A, %swap3A_49] : memref<64x512xf32, #tpu.memory_space<vmem>>, vector<64x512xf32>
    tpu.vector_store %arg8[%swap3A, %swap3A_49], %select_n3A_48 {strides = array<i32>} : memref<64x512xf32, #tpu.memory_space<vmem>>, vector<64x512xf32>,
    return
  }
  func.func @transform_0(%arg0: i32) -> (i32, i32, i32) {
    %c0_i32 = arith.constant 0 : i32
    %c0_i32_0 = arith.constant 0 : i32
    %c0_i32_1 = arith.constant 0 : i32
    return %arg0, %c0_i32, %c0_i32_0 : i32, i32, i32
  }
  func.func @transform_1(%arg0: i32) -> (i32, i32, i32) {
    %c0_i32 = arith.constant 0 : i32
    %c0_i32_0 = arith.constant 0 : i32
    %c0_i32_1 = arith.constant 0 : i32
    return %arg0, %c0_i32, %c0_i32_0 : i32, i32, i32
  }
  func.func @transform_2(%arg0: i32) -> (i32, i32) {
    %c0_i32 = arith.constant 0 : i32
    %c0_i32_0 = arith.constant 0 : i32
    return %c0_i32, %arg0 : i32, i32
  }
  func.func @transform_3(%arg0: i32) -> (i32, i32) {
    %c0_i32 = arith.constant 0 : i32
    %c0_i32_0 = arith.constant 0 : i32
    %c0_i32_1 = arith.constant 0 : i32
    return %c0_i32, %c0_i32_0 : i32, i32
  }
  func.func @transform_4(%arg0: i32) -> (i32, i32) {
    %c0_i32 = arith.constant 0 : i32
    %c0_i32_0 = arith.constant 0 : i32
    %c0_i32_1 = arith.constant 0 : i32
    return %c0_i32, %c0_i32_0 : i32, i32
  }
  func.func @transform_5(%arg0: i32) -> (i32, i32) {
    %c0_i32 = arith.constant 0 : i32
    %c0_i32_0 = arith.constant 0 : i32
    %c0_i32_1 = arith.constant 0 : i32
    return %c0_i32, %c0_i32_0 : i32, i32
  }
  func.func @transform_6(%arg0: i32) -> (i32, i32) {
    %c0_i32 = arith.constant 0 : i32
    %c0_i32_0 = arith.constant 0 : i32
    %c0_i32_1 = arith.constant 0 : i32
    return %c0_i32, %c0_i32_0 : i32, i32
  }
  func.func @transform_7(%arg0: i32) -> (i32, i32) {
    %c0_i32 = arith.constant 0 : i32
    %c0_i32_0 = arith.constant 0 : i32
    return %c0_i32, %arg0 : i32, i32
  }
}

module attributes {stable_mosaic.version = 14 : i64} {
  func.func @_tc_finalmerge_body(%arg0: i32, %arg1: memref<1x1x2048xi32, #tpu.memory_space<vmem>>, %arg2: memref<2048x64xf32, #tpu.memory_space<vmem>>, %arg3: memref<64x2048xf32, #tpu.memory_space<vmem>>, %arg4: memref<64x2048xf32, #tpu.memory_space<vmem>>) attributes {dimension_semantics = [#tpu.dimension_semantics<arbitrary>], iteration_bounds = array<i64: 8>, scalar_prefetch = 0 : i64, scratch_operands = 0 : i64, tpu.core_type = #tpu.core_type<tc>, window_params = [{transform_indices = @transform_0, window_bounds = array<i64: 1, 1, 2048>}, {transform_indices = @transform_1, window_bounds = array<i64: 2048, 64>}, {transform_indices = @transform_2, window_bounds = array<i64: 64, 2048>}, {transform_indices = @transform_3, window_bounds = array<i64: 64, 2048>}]} {
    %get3A = arith.constant 0 : index
    %get3A_0 = arith.constant 0 : index
    %get3A_1 = arith.constant 0 : index
    %get3A_2 = vector.load %arg1[%get3A, %get3A_0, %get3A_1] : memref<1x1x2048xi32, #tpu.memory_space<vmem>>, vector<1x1x2048xi32>
    %get3A_3 = vector.shape_cast %get3A_2 : vector<1x1x2048xi32> to vector<1x2048xi32>
    %iota3A = tpu.iota {dimensions = array<i32: 0>} : vector<64x64xi32>
    %iota3A_4 = tpu.iota {dimensions = array<i32: 1>} : vector<64x64xi32>
    %eq3A = arith.cmpi eq, %iota3A, %iota3A_4 : vector<64x64xi32>
    %convert_element_type3A = arith.extui %eq3A : vector<64x64xi1> to vector<64x64xi32>
    %convert_element_type3A_5 = arith.sitofp %convert_element_type3A : vector<64x64xi32> to vector<64x64xf32>
    %get3A_6 = arith.constant 0 : index
    %get3A_7 = arith.constant 0 : index
    %get3A_8 = vector.load %arg2[%get3A_6, %get3A_7] : memref<2048x64xf32, #tpu.memory_space<vmem>>, vector<2048x64xf32>
    %dot_general3A = arith.constant dense<0.000000e+00> : vector<64x2048xf32>
    %dot_general3A_9 = tpu.matmul %convert_element_type3A_5, %get3A_8, %dot_general3A {dimension_numbers = #tpu.dot_dimension_numbers<[1], [1], [0], [0], [0, 0, 1, 0], [], []>, transpose_lhs_hint = false} : vector<64x64xf32>, vector<2048x64xf32>, vector<64x2048xf32> -> vector<64x2048xf32>
    %lt3A = arith.constant 3 : i32
    %lt3A_10 = vector.broadcast %lt3A : i32 to vector<1x2048xi32>
    %lt3A_11 = arith.cmpi slt, %get3A_3, %lt3A_10 : vector<1x2048xi32>
    %get3A_12 = arith.constant 0 : index
    %get3A_13 = arith.constant 0 : index
    %get3A_14 = vector.load %arg3[%get3A_12, %get3A_13] : memref<64x2048xf32, #tpu.memory_space<vmem>>, vector<64x2048xf32>
    %broadcast_in_dim3A = vector.shape_cast %lt3A_11 : vector<1x2048xi1> to vector<1x2048xi1>
    %broadcast_in_dim3A_15 = vector.broadcast %broadcast_in_dim3A : vector<1x2048xi1> to vector<64x2048xi1>
    %select_n3A = arith.select %broadcast_in_dim3A_15, %dot_general3A_9, %get3A_14 : vector<64x2048xi1>, vector<64x2048xf32>
    %swap3A = arith.constant 0 : index
    %swap3A_16 = arith.constant 0 : index
    %swap3A_17 = vector.load %arg4[%swap3A, %swap3A_16] : memref<64x2048xf32, #tpu.memory_space<vmem>>, vector<64x2048xf32>
    tpu.vector_store %arg4[%swap3A, %swap3A_16], %select_n3A {strides = array<i32>} : memref<64x2048xf32, #tpu.memory_space<vmem>>, vector<64x2048xf32>,
    return
  }
  func.func @transform_0(%arg0: i32) -> (i32, i32, i32) {
    %c0_i32 = arith.constant 0 : i32
    %c0_i32_0 = arith.constant 0 : i32
    %c0_i32_1 = arith.constant 0 : i32
    return %arg0, %c0_i32, %c0_i32_0 : i32, i32, i32
  }
  func.func @transform_1(%arg0: i32) -> (i32, i32) {
    %c0_i32 = arith.constant 0 : i32
    %c0_i32_0 = arith.constant 0 : i32
    return %arg0, %c0_i32 : i32, i32
  }
  func.func @transform_2(%arg0: i32) -> (i32, i32) {
    %c0_i32 = arith.constant 0 : i32
    %c0_i32_0 = arith.constant 0 : i32
    return %c0_i32, %arg0 : i32, i32
  }
  func.func @transform_3(%arg0: i32) -> (i32, i32) {
    %c0_i32 = arith.constant 0 : i32
    %c0_i32_0 = arith.constant 0 : i32
    return %c0_i32, %arg0 : i32, i32
  }
}

</mosaic_0001>

<sc_bundles>
// kernel: kernel.5.cloned.1.call-start
scs
__scs_entry_jumppad:
0x0: {  	(pc) =	sbr.rel $0x88, $3  }
0x1: {  	(tag) =	ssettag $0x0;
	lr =	simm.s32 $0x1  }
0x2: {  	[smem:$0x3F98] =	sst lr;
	_ =	strace $0xD0000000  }
0x3: {  	_ = 	snop  }
0x4: {  	_ = 	snop  }
0x5: {  	_ = 	snop  }
0x6: {  	_ = 	snop  }
0x7: {  	_ = 	snop  }
__scs_overlays_trampoline_lowered:
0x8: {  	[smem:$0x3FA7] =	sst s0  }
0x9: {  	[smem:$0x3FA8] =	sst s1  }
0xa: {  	[smem:$0x3FA9] =	sst s2  }
0xb: {  	[smem:$0x3FAA] =	sst s3  }
0xc: {  	[smem:$0x3FAB] =	sst s4  }
0xd: {  	[smem:$0x3FAC] =	sst s5  }
0xe: {  	[smem:$0x3FAD] =	sst s6  }
0xf: {  	[smem:$0x3FAE] =	sst s7  }
0x10: {  	[smem:$0x3FAF] =	sst s8  }
0x11: {  	[smem:$0x3FB0] =	sst s9;
	s0 =	simm.s32 @!p0 $0x0  }
0x12: {  	s1 =	sld [smem:$0x3F96];
	s0 =	simm.s32 @p0 $0x1  }
0x13: {  	[smem:$0x3FB1] =	sst s0;
	s0 =	simm.s32 @!p1 $0x0  }
0x14: {  	s2 =	sld [smem:$0x3F95];
	s0 =	simm.s32 @p1 $0x1  }
0x15: {  	[smem:$0x3FB2] =	sst s0;
	s0 =	simm.s32 @!p2 $0x0  }
0x16: {  	s3 =	sld [smem:$0x3FDB];
	s0 =	simm.s32 @p2 $0x1  }
0x17: {  	s4 =	simm.s32 $0x1BF5;
	[smem:$0x3FB4] =	sst s0  }
0x18: {  	s0 =	sld [smem:$0x3F97];
	_ =	swait.ge [sflag:s4], $0x0  }
0x19: {  	s7 =	sld [smem:$0x3F98]  }
0x1a: {  	s8 =	sadd.s32 $0xFFFFE003, lr  }
0x1b: {  	s9 =	sadd.s32 $0xFFFFFEF7, lr;
	s5 =	simm.s32 $0xFFFFFFFF;
	p2 =	slt.u32 s8, $0xFFFFF086  }
0x1c: {  	p1 =	slt.u32 s9, $0xF7A;
	s5 =	simm.s32 @!p2 $0x0  }
0x1d: {  	s5 =	simm.s32 @p1 $0x1;
	p0 =	seq.s32 s7, s2  }
0x1e: {  	s7 =	smul.u32 @!p0 $0xF7A, s2;
	p2 =	seq.s32 @!p0 s5, $0x0  }
0x1f: {  	s9 =	smul.u32 $0xF7A, s1;
	s8 =	simm.s32 @!p0 $0x1BF5;
	p2 =	por !p2, p0  }
0x20: {  	[sflag:s8] =	ssyncset.s32 @!p0 $0xFFFFF086;
	s6 =	sadd.s32 @!p0 s3, s7;
	s7 =	simm.s32 @!p0 $0x108  }
0x21: {  	s3 =	sadd.s32 s3, s9;
	s6 =	sadd.s32 @!p0 $0x88, s6;
	s7 =	simm.s32 @p2 $0x1082  }
0x22: {  	[simem:s7], [sflag:s8] =	dma.local @!p0 [hbm:s6], $0xF7A  }
0x23: {  	s9 =	sor.u32 $0xD0000000, s2;
	s6 =	simm.s32 $0x108;
	_ =	swait.ge @!p0 [sflag:s8], $0x0  }
0x24: {  	s3 =	sadd.s32 $0x88, s3;
	s6 =	simm.s32 @!p1 $0x1082;
	[sflag:s4] =	ssyncset.s32 $0xFFFFF086  }
0x25: {  	[simem:s6], [sflag:s4] =	dma.local [hbm:s3], $0xF7A  }
0x26: {  	[smem:$0x3F98] =	sst s1;
	(tag) =	ssettag s2;
	_ =	strace s9  }
0x27: {  	s1 =	sld [smem:$0x3FA8]  }
0x28: {  	s2 =	sld [smem:$0x3FA9]  }
0x29: {  	s4 =	sld [smem:$0x3FAB]  }
0x2a: {  	p0 =	seq.s32 s5, $0x0;
	s5 =	sld [smem:$0x3FAC]  }
0x2b: {  	s6 =	sld [smem:$0x3FAD]  }
0x2c: {  	s7 =	sld [smem:$0x3FAE]  }
0x2d: {  	s3 =	simm.s32 $0x108;
	s8 =	sld [smem:$0x3FAF]  }
0x2e: {  	s3 =	simm.s32 @!p0 $0x1082;
	s9 =	sld [smem:$0x3FB0]  }
0x2f: {  	lr =	sadd.s32 s0, s3;
	s0 =	sld [smem:$0x3FA7]  }
0x30: {  	s3 =	sld [smem:$0x3FAA]  }
0x31: {  	[smem:$0x3FB3] =	sst s10  }
0x32: {  	s10 =	sld [smem:$0x3FB1];
	_ =	sdelay $0x3  }
0x33: {  	p0 =	seq.s32 s10, $0x1;
	s10 =	sld [smem:$0x3FB3];
	_ =	sdelay $0x3  }
0x34: {  	[smem:$0x3FB3] =	sst s10  }
0x35: {  	s10 =	sld [smem:$0x3FB2];
	_ =	sdelay $0x3  }
0x36: {  	p1 =	seq.s32 s10, $0x1;
	s10 =	sld [smem:$0x3FB3];
	_ =	sdelay $0x3  }
0x37: {  	[smem:$0x3FB3] =	sst s10  }
0x38: {  	s10 =	sld [smem:$0x3FB4]  }
0x39: {  	_ = 	snop;
	(pc) =	sbr.ind lr, $3  }
0x3a: {  	_ = 	snop  }
0x3b: {  	_ = 	snop  }
0x3c: {  	p2 =	seq.s32 s10, $0x1;
	s10 =	sld [smem:$0x3FB3]  }
0x3d: {  	_ =	shalt  }
0x3e: {  	_ =	shalt  }
0x3f: {  	_ =	shalt  }
0x40: {  	_ =	shalt  }
0x41: {  	_ =	shalt  }
0x42: {  	_ =	shalt  }
0x43: {  	_ =	shalt  }
0x44: {  	_ =	shalt  }
0x45: {  	_ =	shalt  }
0x46: {  	_ =	shalt  }
0x47: {  	_ =	shalt  }
0x48: {  	_ =	shalt  }
0x49: {  	_ =	shalt  }
0x4a: {  	_ =	shalt  }
0x4b: {  	_ =	shalt  }
0x4c: {  	_ =	shalt  }
0x4d: {  	_ =	shalt  }
0x4e: {  	_ =	shalt  }
0x4f: {  	_ =	shalt  }
0x50: {  	_ =	shalt  }
0x51: {  	_ =	shalt  }
0x52: {  	_ =	shalt  }
0x53: {  	_ =	shalt  }
0x54: {  	_ =	shalt  }
0x55: {  	_ =	shalt  }
0x56: {  	_ =	shalt  }
0x57: {  	_ =	shalt  }
0x58: {  	_ =	shalt  }
0x59: {  	_ =	shalt  }
0x5a: {  	_ =	shalt  }
0x5b: {  	_ =	shalt  }
0x5c: {  	_ =	shalt  }
0x5d: {  	_ =	shalt  }
0x5e: {  	_ =	shalt  }
0x5f: {  	_ =	shalt  }
0x60: {  	_ =	shalt  }
0x61: {  	_ =	shalt  }
0x62: {  	_ =	shalt  }
0x63: {  	_ =	shalt  }
0x64: {  	_ =	shalt  }
0x65: {  	_ =	shalt  }
0x66: {  	_ =	shalt  }
0x67: {  	_ =	shalt  }
0x68: {  	_ =	shalt  }
0x69: {  	_ =	shalt  }
0x6a: {  	_ =	shalt  }
0x6b: {  	_ =	shalt  }
0x6c: {  	_ =	shalt  }
0x6d: {  	_ =	shalt  }
0x6e: {  	_ =	shalt  }
0x6f: {  	_ =	shalt  }
0x70: {  	_ =	shalt  }
0x71: {  	_ =	shalt  }
0x72: {  	_ =	shalt  }
0x73: {  	_ =	shalt  }
0x74: {  	_ =	shalt  }
0x75: {  	_ =	shalt  }
0x76: {  	_ =	shalt  }
0x77: {  	_ =	shalt  }
0x78: {  	_ =	shalt  }
0x79: {  	_ =	shalt  }
0x7a: {  	_ =	shalt  }
0x7b: {  	_ =	shalt  }
0x7c: {  	_ =	shalt  }
0x7d: {  	_ =	shalt  }
0x7e: {  	_ =	shalt  }
0x7f: {  	_ =	shalt  }
0x80: {  	_ =	shalt  }
0x81: {  	_ =	shalt  }
0x82: {  	_ =	shalt  }
0x83: {  	_ =	shalt  }
0x84: {  	_ =	shalt  }
0x85: {  	_ =	shalt  }
0x86: {  	_ =	shalt  }
0x87: {  	_ =	shalt  }
.Lfunc_end0:
.L_simem_size_0:
called_computation_lowered:
.L_overlay_start_0:
0x88: {  	s2 =	sld [smem:$0x3FD9]  }
0x89: {  	s3 =	sld [smem:$0x3FFE];
	_ =	sdelay $0x1  }
0x8a: {  	s1 =	srdreg.scid  }
0x8b: {  	s0 =	sand.u32 $0x1, s1  }
0x8c: {  	s17 =	sshll.u32 s0, $0xA;
	s2 =	sadd.s32 s3, s2  }
0x8d: {  	s2 =	sadd.s32 s2, s17  }
0x8e: {  	[smem:$0x3FBF] =	sst s2  }
0x8f: {  	_ = 	snop  }
0x90: {  	s2 =	sld [smem:$0x3FC9]  }
0x91: {  	s18 =	sld [smem:$0x3FC8];
	(tm) =	ssettm $0x1  }
0x92: {  	s4 =	sld [smem:$0x3FFB];
	_ =	sdelay $0x3  }
0x93: {  	_ =	strace s4  }
0x94: {  	s4 =	sld [smem:$0x3FFC];
	_ =	sdelay $0x3  }
0x95: {  	_ =	strace s4  }
0x96: {  	s4 =	sld [smem:$0x3FFD];
	_ =	sdelay $0x3  }
0x97: {  	_ =	strace s4  }
0x98: {  	_ =	strace $0x8FFFFFFF  }
0x99: {  	s19 =	sld [smem:$0x3FDB];
	_ =	sdelay $0x1  }
0x9a: {  	s5 =	simm.s32 $_scs_section_size  }
0x9b: {  	s6 =	simm.s32 $_size__tile_overlayer_lowered;
	s7 =	simm.s32 $_tile_overlayer_lowered  }
0x9c: {  	s22 =	simm.s32 $0x1BFF;
	s21 =	sshll.u32 s7, $0x1;
	s4 =	sadd.s32 s5, s19  }
0x9d: {  	s8 =	simm.s32 $0x0;
	s20 =	sshll.u32 s6, $0x1;
	s6 =	sadd.s32 s21, s4  }
0x9e: {  	[timem:s8], [sflag:s22] =	dma.local [hbm:s6], s20  }
0x9f: {  	_ =	swait.ge [sflag:s22], s20  }
0xa0: {  	s5 =	ssub.s32 $0x0, s20;
	[sflag:s22] =	ssyncset.done $0x0  }
0xa1: {  	[sflag:s22] =	ssyncadd.s32 s5;
	_ =	sdelay $0x1  }
0xa2: {  	s23 =	simm.s32 $0x1B8B  }
0xa3: {  	_ =	swait.ge [sflag:s23], $0x1  }
0xa4: {  	[sflag:s23] =	ssyncset.done $0x0  }
0xa5: {  	s25 =	simm.s32 $0x1B8E;
	s24 =	sld [smem:$0x3FFE];
	[sflag:s23] =	ssyncadd.s32 $0xFFFFFFFF  }
0xa6: {  	s26 =	simm.s32 $execute0_lowered;
	[smem:$0x3FD2] =	sst s25  }
0xa7: {  	s6 =	sshll.u32 s26, $0x1;
	_ =	strace $0x80000046;
	[dreg:$0x1] =	wrdreg $0xFFFFFFFF  }
0xa8: {  	s28 =	simm.s32 $_size_execute0_lowered;
	s4 =	sadd.s32 s4, s6;
	[dreg:$0x0] =	wrdreg $0x0  }
0xa9: {  	s6 =	sshll.u32 s28, $0x1;
	[dreg:$0x2] =	wrdreg s4  }
0xaa: {  	[dreg:$0x3] =	wrdreg s6  }
0xab: {  	[dreg:$0x4] =	wrdreg $0xC0  }
0xac: {  	_ =	task [dreg:s8], $0x5FFFF  }
0xad: {  	[dreg:$0x1] =	wrdreg $0xFFFFFFFF  }
0xae: {  	[dreg:$0x0] =	wrdreg $0x60  }
0xaf: {  	[dreg:$0x2] =	wrdreg s24  }
0xb0: {  	[dreg:$0x3] =	wrdreg s2  }
0xb1: {  	[dreg:$0x4] =	wrdreg s18  }
0xb2: {  	[dreg:$0x5] =	wrdreg $0x9  }
0xb3: {  	_ =	task.clear_ibuf [dreg:s8], $0x6FFFF;
	_ =	strace $0x90000046  }
0xb4: {  	s29 =	simm.s32 $0x9;
	_ =	strace $0x80000048  }
0xb5: {  	_ =	swait.ge [sflag:s29], $0x1  }
0xb6: {  	[sflag:s29] =	ssyncadd.s32 $0xFFFFFFFF  }
0xb7: {  	_ =	strace $0x90000048  }
0xb8: {  	_ =	sfence  }
0xb9: {  	s30 =	sld [smem:$0x0];
	_ =	sdelay $0x2  }
0xba: {  	s31 =	sshll.u32 s1, $0xD;
	s1 =	sshrl.u32 s1, $0x2  }
0xbb: {  	s3 =	sand.u32 $0x4000, s31;
	s1 =	sadd.s32 s1, s30  }
0xbc: {  	s0 =	sor.u32 s3, s0;
	s1 =	sshll.u32 s1, $0x11  }
0xbd: {  	s0 =	sor.u32 s1, s0  }
0xbe: {  	s0 =	sadd.s32 $0x8F2B, s0  }
0xbf: {  	[sflag:s0] =	ssyncadd.remote.s32 $0x1  }
0xc0: {  	_ =	sfence.sel $0xFFFF  }
0xc1: {  	[dreg:$0x0] =	wrdreg $0xFFFFFFFF;
	(pc) =	sbr.abs _section_cstart, $3  }
0xc2: {  	[dreg:$0x1] =	wrdreg $0xFFFFFFFF  }
0xc3: {  	_ =	task.clear_ibuf [dreg:s8], $0x2FFFF;
	_ =	strace $0x9FFFFFFF  }
0xc4: {  	(tm) =	ssettm $0x7FFFFFFF  }
0xc5: {  	_ =	shalt  }
tec
execute0_lowered:
.L_overlay_start_1:
0x0: {  	(tag) =	ssettag $0x1  }
0x1: {  	s4 =	rddreg [dreg:$0x0]  }
0x2: {  	s5 =	rddreg [dreg:$0x1]  }
0x3: {  	s6 =	rddreg [dreg:$0x2];
	s3 =	srdreg.scid  }
0x4: {  	s2 =	simm.s32 $0x0;
	s0 =	stileid.u32;
	s11 =	simm.s32 $0x600  }
0x5: {  	s12 =	simm.s32 $0x0;
	s3 =	sand.u32 $0x1, s3;
	[smem:$0x7FF] =	sst s2  }
0x6: {  	s7 =	sshll.u32 s0, $0xA;
	s8 =	sshll.u32 s3, $0x9;
	s31 =	ssub.s32 $0x2, s3  }
0x7: {  	_ =	strace $0x80000047;
	s7 =	sor.u32 s8, s7;
	s10 =	sshrl.u32 s31, $0x1  }
0x8: {  	s3 =	sadd.s32 $0x1000, s4;
	s9 =	sshll.u32 s7, $0x4;
	s8 =	ssub.s32 s31, s10  }
0x9: {  	s7 =	sshrl.u32 s7, $0x3;
	s10 =	simm.s32 $0x1;
	s9 =	sadd.s32 s9, s4  }
0xa: {  	s4 =	sadd.s32 s5, s7;
	s5 =	sadd.s32 s6, s7;
	s7 =	smax.u32 s8, $0x1  }
0xb: {  	s8 =	simm.s32 $0x2;
	s6 =	sadd.s32 $0x494E00, s9;
	s9 =	simm.s32 $0x200  }
.LBB2_1:
0xc: {  	[tilespmem:s2], [sflag:$0x2] =	stream.linear.gather [hbm4b:s4+s2], $0x200, $0x38;
	[tilespmem:$0x10600] =	vst v63  }
0xd: {  	_ =	swait.ge [sflag:s8], $0x200  }
0xe: {  	[sflag:s8] =	ssyncset.done $0x0  }
0xf: {  	[sflag:s8] =	ssyncadd.s32 $0xFFFFFE00  }
0x10: {  	[tilespmem:s9], [sflag:$0x2] =	stream.linear.gather [hbm4b:s5+s2], $0x200, $0x38;
	[tilespmem:$0x10600] =	vst v63  }
0x11: {  	_ =	swait.ge [sflag:s8], $0x200  }
0x12: {  	[sflag:s8] =	ssyncset.done $0x0  }
0x13: {  	[sflag:s8] =	ssyncadd.s32 $0xFFFFFE00  }
0x14: {  	v0 =	vld [tilespmem:$0x0]  }
0x15: {  	v1 =	vld [tilespmem:$0x200]  }
0x16: {  	v2 =	vld [tilespmem:$0x10]  }
0x17: {  	v3 =	vld [tilespmem:$0x210]  }
0x18: {  	v4 =	vld [tilespmem:$0x20]  }
0x19: {  	v5 =	vld [tilespmem:$0x220]  }
0x1a: {  	v6 =	vld [tilespmem:$0x30]  }
0x1b: {  	v7 =	vld [tilespmem:$0x230]  }
0x1c: {  	v8 =	vld [tilespmem:$0x40]  }
0x1d: {  	v9 =	vld [tilespmem:$0x240]  }
0x1e: {  	v10 =	vld [tilespmem:$0x50]  }
0x1f: {  	v11 =	vld [tilespmem:$0x250]  }
0x20: {  	v12 =	vld [tilespmem:$0x60]  }
0x21: {  	v13 =	vld [tilespmem:$0x260]  }
0x22: {  	v14 =	vld [tilespmem:$0x70]  }
0x23: {  	v15 =	vld [tilespmem:$0x270]  }
0x24: {  	v16 =	vld [tilespmem:$0x80]  }
0x25: {  	v17 =	vld [tilespmem:$0x280]  }
0x26: {  	v18 =	vld [tilespmem:$0x90]  }
0x27: {  	v20 =	vld [tilespmem:$0xA0]  }
0x28: {  	v22 =	vld [tilespmem:$0xB0]  }
0x29: {  	v24 =	vld [tilespmem:$0xC0]  }
0x2a: {  	v27 =	vld [tilespmem:$0xE0]  }
0x2b: {  	v47 =	vld [tilespmem:$0xF0]  }
0x2c: {  	v51 =	vld [tilespmem:$0x100];
	vm0 =	vlt.s32 v0, $0x2  }
0x2d: {  	v29 =	vld [tilespmem:$0x110];
	vm9 =	vlt.s32 v2, $0x2;
	vm10 =	vlt.s32 v4, $0x2;
	vm11 =	vlt.s32 v6, $0x2  }
0x2e: {  	v53 =	vld [tilespmem:$0x120];
	vm12 =	vlt.s32 v8, $0x2;
	vm13 =	vlt.s32 v10, $0x2;
	vm14 =	vlt.s32 v12, $0x2  }
0x2f: {  	v57 =	vld [tilespmem:$0x130];
	vm15 =	vlt.s32 v14, $0x2;
	vm4 =	vlt.s32 v16, $0x2;
	vm5 =	vlt.s32 v18, $0x2  }
0x30: {  	v62 =	vld [tilespmem:$0x140];
	vm6 =	vlt.s32 v20, $0x2;
	vm7 =	vlt.s32 v22, $0x2;
	vm8 =	vlt.s32 v24, $0x2  }
0x31: {  	v32 =	vld [tilespmem:$0x160];
	v0 =	vnsel vm0, $0x2, v0;
	v4 =	vnsel vm10, $0x2, v4;
	v6 =	vnsel vm11, $0x2, v6  }
0x32: {  	v35 =	vld [tilespmem:$0x170];
	v44 =	vnsel vm12, $0x2, v8;
	v48 =	vnsel vm13, $0x2, v10;
	v50 =	vnsel vm14, $0x2, v12  }
0x33: {  	v39 =	vld [tilespmem:$0x180];
	v14 =	vnsel vm15, $0x2, v14;
	v16 =	vnsel vm4, $0x2, v16;
	v18 =	vnsel vm5, $0x2, v18  }
0x34: {  	v19 =	vld [tilespmem:$0x290];
	v56 =	vnsel vm6, $0x2, v20;
	v58 =	vnsel vm7, $0x2, v22;
	v61 =	vnsel vm8, $0x2, v24  }
0x35: {  	v21 =	vld [tilespmem:$0x2A0];
	vm10 =	vlt.s32 v27, $0x2;
	vm11 =	vlt.s32 v47, $0x2;
	vm12 =	vlt.s32 v51, $0x2  }
0x36: {  	v23 =	vld [tilespmem:$0x2B0];
	vm13 =	vlt.s32 v29, $0x2;
	vm14 =	vlt.s32 v53, $0x2;
	vm15 =	vlt.s32 v57, $0x2  }
0x37: {  	v25 =	vld [tilespmem:$0x2C0];
	vm4 =	vlt.s32 v62, $0x2;
	vm6 =	vlt.s32 v32, $0x2;
	v0 =	vmul.u32 $0x186A0, v0  }
0x38: {  	v26 =	vld [tilespmem:$0x2D0];
	vm7 =	vlt.s32 v35, $0x2;
	vm8 =	vlt.s32 v39, $0x2;
	v4 =	vmul.u32 $0x186A0, v4  }
0x39: {  	v45 =	vld [tilespmem:$0x2E0];
	v46 =	vmul.u32 $0x186A0, v44;
	v14 =	vmul.u32 $0x186A0, v14;
	v0 =	vadd.s32 v1, v0  }
0x3a: {  	v49 =	vld [tilespmem:$0x2F0];
	v16 =	vmul.u32 $0x186A0, v16;
	v52 =	vmul.u32 $0x186A0, v18;
	v4 =	vadd.s32 v5, v4;
	[tilespmem:$0x400] =	vst v0  }
0x3b: {  	v30 =	vld [tilespmem:$0x310];
	v60 =	vmul.u32 $0x186A0, v58;
	v27 =	vnsel vm10, $0x2, v27;
	v5 =	vadd.s32 v9, v46;
	[tilespmem:$0x420] =	vst v4  }
0x3c: {  	v24 =	vld [tilespmem:$0x150];
	v12 =	vnsel vm12, $0x2, v51;
	v34 =	vnsel vm13, $0x2, v29;
	v14 =	vadd.s32 v15, v14;
	[tilespmem:$0x440] =	vst v5  }
0x3d: {  	v28 =	vld [tilespmem:$0x300];
	v42 =	vnsel vm15, $0x2, v57;
	v44 =	vnsel vm4, $0x2, v62;
	v54 =	vadd.s32 v17, v16;
	[tilespmem:$0x470] =	vst v14  }
0x3e: {  	v55 =	vld [tilespmem:$0x320];
	v36 =	vmul.u32 $0x186A0, v34;
	v9 =	vmul.u32 $0x186A0, v50;
	v0 =	vadd.s32 v19, v52;
	[tilespmem:$0x480] =	vst v54  }
0x3f: {  	v59 =	vld [tilespmem:$0x330];
	v51 =	vnsel vm7, $0x2, v35;
	v1 =	vnsel vm9, $0x2, v2;
	v4 =	vadd.s32 v23, v60;
	[tilespmem:$0x490] =	vst v0  }
0x40: {  	v2 =	vld [tilespmem:$0xD0];
	v1 =	vmul.u32 $0x186A0, v1;
	v40 =	vadd.s32 v30, v36;
	v9 =	vadd.s32 v13, v9;
	[tilespmem:$0x4B0] =	vst v4  }
0x41: {  	v63 =	vld [tilespmem:$0x340];
	v0 =	vmul.u32 $0x186A0, v12;
	v13 =	vnsel vm14, $0x2, v53;
	vm5 =	vlt.s32 v24, $0x2;
	[tilespmem:$0x510] =	vst v40  }
0x42: {  	v31 =	vld [tilespmem:$0x350];
	v1 =	vadd.s32 v3, v1;
	v3 =	vmul.u32 $0x186A0, v6;
	[tilespmem:$0x460] =	vst v9;
	v6 =	vnsel vm11, $0x2, v47  }
0x43: {  	v46 =	vld [tilespmem:$0x1A0];
	v38 =	vmul.u32 $0x186A0, v13;
	[tilespmem:$0x410] =	vst v1;
	v1 =	vmul.u32 $0x186A0, v56;
	v0 =	vadd.s32 v28, v0  }
0x44: {  	v43 =	vld [tilespmem:$0x190];
	v5 =	vnsel vm5, $0x2, v24;
	v6 =	vmul.u32 $0x186A0, v6;
	v3 =	vadd.s32 v7, v3;
	[tilespmem:$0x500] =	vst v0  }
0x45: {  	v53 =	vld [tilespmem:$0x1C0];
	v7 =	vmul.u32 $0x186A0, v48;
	vm9 =	vlt.s32 v2, $0x2;
	[tilespmem:$0x430] =	vst v3;
	v1 =	vadd.s32 v21, v1  }
0x46: {  	v33 =	vld [tilespmem:$0x360];
	v5 =	vmul.u32 $0x186A0, v5;
	v2 =	vnsel vm9, $0x2, v2;
	v6 =	vadd.s32 v49, v6;
	[tilespmem:$0x4A0] =	vst v1  }
0x47: {  	v47 =	vnsel vm6, $0x2, v32;
	v56 =	vld [tilespmem:$0x1E0];
	v7 =	vadd.s32 v11, v7;
	v2 =	vmul.u32 $0x186A0, v2;
	[tilespmem:$0x4F0] =	vst v6  }
0x48: {  	v37 =	vld [tilespmem:$0x370];
	vm10 =	vlt.s32 v46, $0x2;
	v50 =	vadd.s32 v31, v5;
	[tilespmem:$0x450] =	vst v7;
	v7 =	vmul.u32 $0x186A0, v27  }
0x49: {  	v48 =	vld [tilespmem:$0x1B0];
	v3 =	vmul.u32 $0x186A0, v61;
	vm9 =	vlt.s32 v43, $0x2;
	[tilespmem:$0x550] =	vst v50;
	v2 =	vadd.s32 v26, v2  }
0x4a: {  	v41 =	vld [tilespmem:$0x380];
	v54 =	vnsel vm9, $0x2, v43;
	vm12 =	vlt.s32 v53, $0x2;
	v1 =	vadd.s32 v45, v7;
	[tilespmem:$0x4D0] =	vst v2  }
0x4b: {  	v52 =	vld [tilespmem:$0x3B0];
	v3 =	vadd.s32 v25, v3;
	v2 =	vmul.u32 $0x186A0, v42;
	[tilespmem:$0x4E0] =	vst v1;
	v1 =	vmul.u32 $0x186A0, v44  }
0x4c: {  	v57 =	vmul.u32 $0x186A0, v54;
	[tilespmem:$0x4C0] =	vst v3;
	v3 =	vadd.s32 v55, v38;
	v55 =	vld [tilespmem:$0x1D0];
	vm14 =	vlt.s32 v56, $0x2  }
0x4d: {  	v45 =	vld [tilespmem:$0x390];
	[tilespmem:$0x520] =	vst v3;
	v2 =	vadd.s32 v59, v2;
	v0 =	vadd.s32 v63, v1;
	v1 =	vmul.u32 $0x186A0, v47  }
0x4e: {  	v49 =	vld [tilespmem:$0x3A0];
	v3 =	vnsel vm8, $0x2, v39;
	vm11 =	vlt.s32 v48, $0x2;
	[tilespmem:$0x530] =	vst v2;
	v2 =	vmul.u32 $0x186A0, v51  }
0x4f: {  	v58 =	vnsel vm11, $0x2, v48;
	v59 =	vld [tilespmem:$0x1F0];
	[tilespmem:$0x540] =	vst v0;
	v0 =	vmul.u32 $0x186A0, v3;
	v1 =	vadd.s32 v33, v1  }
0x50: {  	v60 =	vld [tilespmem:$0x3C0];
	v3 =	vnsel vm10, $0x2, v46;
	[tilespmem:$0x560] =	vst v1;
	v1 =	vadd.s32 v37, v2;
	v2 =	vmul.u32 $0x186A0, v58  }
0x51: {  	v61 =	vld [tilespmem:$0x3D0];
	vm13 =	vlt.s32 v55, $0x2;
	v3 =	vmul.u32 $0x186A0, v3;
	v0 =	vadd.s32 v41, v0;
	[tilespmem:$0x570] =	vst v1  }
0x52: {  	v62 =	vld [tilespmem:$0x3E0];
	v1 =	vadd.s32 v45, v57;
	[tilespmem:$0x580] =	vst v0;
	v0 =	vadd.s32 v52, v2;
	v2 =	vnsel vm12, $0x2, v53  }
0x53: {  	v63 =	vld [tilespmem:$0x3F0];
	v3 =	vadd.s32 v49, v3;
	[tilespmem:$0x590] =	vst v1;
	v1 =	vmul.u32 $0x186A0, v2;
	v2 =	vnsel vm13, $0x2, v55  }
0x54: {  	vm15 =	vlt.s32 v59, $0x2;
	[tilespmem:$0x5A0] =	vst v3;
	v3 =	vnsel vm14, $0x2, v56;
	v2 =	vmul.u32 $0x186A0, v2  }
0x55: {  	[tilespmem:$0x5B0] =	vst v0;
	v3 =	vmul.u32 $0x186A0, v3;
	v0 =	vadd.s32 v60, v1;
	v1 =	vnsel vm15, $0x2, v59  }
0x56: {  	[tilespmem:$0x5C0] =	vst v0;
	v0 =	vadd.s32 v61, v2;
	v1 =	vmul.u32 $0x186A0, v1  }
0x57: {  	[tilespmem:$0x5D0] =	vst v0;
	v0 =	vadd.s32 v62, v3  }
0x58: {  	[tilespmem:$0x5E0] =	vst v0;
	v0 =	vadd.s32 v63, v1  }
0x59: {  	s14 =	simm.s32 $0x400;
	[tilespmem:$0x5F0] =	vst v0  }
0x5a: {  	v0 =	vld [tilespmem:s14+$0x0];
	_ =	sdelay $0x4  }
0x5b: {  	v0 =	vshll.u32 v0, $0x4  }
0x5c: {  	(v2sf) =	vpush v0, $0x0  }
0x5d: {  	(v2sf) =	vpush v0, $0x1  }
0x5e: {  	(v2sf) =	vpush v0, $0x2;
	_ =	sdelay $0x1  }
0x5f: {  	(v2sf) =	vpush v0, $0x4;
	_ =	sdelay $0x1  }
0x60: {  	(v2sf) =	vpush v0, $0x3  }
0x61: {  	(v2sf) =	vpush v0, $0x5  }
0x62: {  	s15 =	simm.s32 $0x2000;
	s13 =	simm.s32 $0x0;
	(v2sf) =	vpush v0, $0x6  }
.LBB2_2:
0x63: {  	p0 =	sne.s32 s15, $0x3E000  }
0x64: {  	s25 =	sadd.s32 $0x680, s13;
	s19 =	sadd.s32 $0xB80, s13;
	s16 =	smov.u32 s15  }
0x65: {  	s15 =	sadd.s32 $0x2000, s15;
	s22 =	sadd.s32 $0x980, s13;
	s17 =	sadd.s32 $0xC00, s13;
	(v2sf) =	vpush v0, $0x7  }
0x66: {  	s24 =	sadd.s32 $0x880, s13;
	s21 =	sadd.s32 $0xA00, s13;
	s18 =	sadd.s32 $0xC80, s13  }
0x67: {  	s26 =	sadd.s32 $0x600, s13;
	s28 =	sadd.s32 $0x800, s13;
	(v2sf) =	vpush v0, $0x8  }
0x68: {  	s29 =	sadd.s32 $0x900, s13;
	s14 =	sadd.s32 $0x10, s14  }
0x69: {  	s30 =	sadd.s32 $0x700, s13;
	s20 =	sadd.s32 $0xB00, s13;
	s23 =	spop (v2sf);
	(v2sf) =	vpush v0, $0x9  }
0x6a: {  	s31 =	sand.u32 $0x1FFFFFF0, s23;
	s23 =	sadd.s32 $0xA80, s13;
	s0 =	spop (v2sf)  }
0x6b: {  	s31 =	sadd.s32 s3, s31;
	s0 =	sand.u32 $0x1FFFFFF0, s0;
	s1 =	spop (v2sf);
	(v2sf) =	vpush v0, $0xA  }
0x6c: {  	[tilespmem:s26], [sflag:$0x1] =	stream.linear.gather [hbm4b:s31+s2], $0x80, $0x38;
	[tilespmem:$0x10600] =	vst v63  }
0x6d: {  	s0 =	sadd.s32 s3, s0;
	s26 =	sadd.s32 $0x780, s13;
	s31 =	spop (v2sf);
	(v2sf) =	vpush v0, $0xB  }
0x6e: {  	[tilespmem:s25], [sflag:$0x1] =	stream.linear.gather [hbm4b:s0+s2], $0x80, $0x38;
	[tilespmem:$0x10600] =	vst v63  }
0x6f: {  	s0 =	sand.u32 $0x1FFFFFF0, s1;
	s1 =	sand.u32 $0x1FFFFFF0, s31;
	s25 =	spop (v2sf);
	(v2sf) =	vpush v0, $0xC  }
0x70: {  	s0 =	sadd.s32 s3, s0;
	s25 =	sand.u32 $0x1FFFFFF0, s25;
	s31 =	spop (v2sf)  }
0x71: {  	[tilespmem:s30], [sflag:$0x1] =	stream.linear.gather [hbm4b:s0+s2], $0x80, $0x38;
	(v2sf) =	vpush v0, $0xD;
	[tilespmem:$0x10600] =	vst v63  }
0x72: {  	s0 =	sadd.s32 s3, s25;
	s25 =	sand.u32 $0x1FFFFFF0, s31;
	s30 =	spop (v2sf)  }
0x73: {  	[tilespmem:s26], [sflag:$0x1] =	stream.linear.gather [hbm4b:s0+s2], $0x80, $0x38;
	(v2sf) =	vpush v0, $0xE;
	[tilespmem:$0x10600] =	vst v63  }
0x74: {  	s0 =	sadd.s32 s3, s1;
	s1 =	sand.u32 $0x1FFFFFF0, s30;
	s26 =	spop (v2sf)  }
0x75: {  	[tilespmem:s28], [sflag:$0x1] =	stream.linear.gather [hbm4b:s0+s2], $0x80, $0x38;
	(v2sf) =	vpush v0, $0xF;
	[tilespmem:$0x10600] =	vst v63  }
0x76: {  	s0 =	sadd.s32 s3, s25;
	s25 =	sand.u32 $0x1FFFFFF0, s26;
	s26 =	spop (v2sf)  }
0x77: {  	[tilespmem:s24], [sflag:$0x1] =	stream.linear.gather [hbm4b:s0+s2], $0x80, $0x38;
	[tilespmem:$0x10600] =	vst v63  }
0x78: {  	s0 =	sadd.s32 s3, s1;
	s1 =	sand.u32 $0x1FFFFFF0, s26;
	s24 =	spop (v2sf)  }
0x79: {  	[tilespmem:s29], [sflag:$0x1] =	stream.linear.gather [hbm4b:s0+s2], $0x80, $0x38;
	[tilespmem:$0x10600] =	vst v63  }
0x7a: {  	s0 =	sadd.s32 s3, s25;
	s24 =	sand.u32 $0x1FFFFFF0, s24;
	s25 =	spop (v2sf)  }
0x7b: {  	[tilespmem:s22], [sflag:$0x1] =	stream.linear.gather [hbm4b:s0+s2], $0x80, $0x38;
	[tilespmem:$0x10600] =	vst v63  }
0x7c: {  	s0 =	sadd.s32 s3, s1;
	s1 =	sand.u32 $0x1FFFFFF0, s25;
	s22 =	spop (v2sf)  }
0x7d: {  	[tilespmem:s21], [sflag:$0x1] =	stream.linear.gather [hbm4b:s0+s2], $0x80, $0x38;
	[tilespmem:$0x10600] =	vst v63  }
0x7e: {  	s0 =	sadd.s32 s3, s24;
	s21 =	sand.u32 $0x1FFFFFF0, s22;
	s22 =	spop (v2sf)  }
0x7f: {  	[tilespmem:s23], [sflag:$0x1] =	stream.linear.gather [hbm4b:s0+s2], $0x80, $0x38;
	[tilespmem:$0x10600] =	vst v63  }
0x80: {  	s0 =	sadd.s32 s3, s1;
	s1 =	sand.u32 $0x1FFFFFF0, s22;
	s22 =	spop (v2sf)  }
0x81: {  	[tilespmem:s20], [sflag:$0x1] =	stream.linear.gather [hbm4b:s0+s2], $0x80, $0x38;
	[tilespmem:$0x10600] =	vst v63  }
0x82: {  	s0 =	sadd.s32 s3, s21;
	s20 =	sand.u32 $0x1FFFFFF0, s22;
	s21 =	spop (v2sf)  }
0x83: {  	[tilespmem:s19], [sflag:$0x1] =	stream.linear.gather [hbm4b:s0+s2], $0x80, $0x38;
	[tilespmem:$0x10600] =	vst v63  }
0x84: {  	s0 =	sadd.s32 s3, s1;
	s1 =	sand.u32 $0x1FFFFFF0, s21;
	s19 =	spop (v2sf)  }
0x85: {  	[tilespmem:s17], [sflag:$0x1] =	stream.linear.gather [hbm4b:s0+s2], $0x80, $0x38;
	[tilespmem:$0x10600] =	vst v63  }
0x86: {  	s0 =	sadd.s32 s3, s20;
	s17 =	sand.u32 $0x1FFFFFF0, s19  }
0x87: {  	[tilespmem:s18], [sflag:$0x1] =	stream.linear.gather [hbm4b:s0+s2], $0x80, $0x38;
	[tilespmem:$0x10600] =	vst v63  }
0x88: {  	s1 =	sadd.s32 s3, s1;
	s0 =	sadd.s32 $0xD00, s13  }
0x89: {  	[tilespmem:s0], [sflag:$0x1] =	stream.linear.gather [hbm4b:s1+s2], $0x80, $0x38;
	[tilespmem:$0x10600] =	vst v63  }
0x8a: {  	s0 =	sadd.s32 $0xD80, s13;
	s1 =	sadd.s32 s3, s17  }
0x8b: {  	[tilespmem:s0], [sflag:$0x1] =	stream.linear.gather [hbm4b:s1+s2], $0x80, $0x38;
	[tilespmem:$0x10600] =	vst v63  }
0x8c: {  	v0 =	vld [tilespmem:s14+$0x0];
	_ =	sdelay $0x4  }
0x8d: {  	v0 =	vshll.u32 v0, $0x4  }
0x8e: {  	(v2sf) =	vpush v0, $0x0  }
0x8f: {  	(v2sf) =	vpush v0, $0x1  }
0x90: {  	(v2sf) =	vpush v0, $0x2;
	_ =	sdelay $0x1  }
0x91: {  	(v2sf) =	vpush v0, $0x4  }
.Ltmp0:
0x92: {  	(pc) =	sbr.rel @p0 .LBB2_2-.Ltmp0, $3  }
0x93: {  	(v2sf) =	vpush v0, $0x3  }
0x94: {  	(v2sf) =	vpush v0, $0x5;
	_ =	sdelay $0x1  }
0x95: {  	s13 =	sshra.s32 s16, $0x2;
	(v2sf) =	vpush v0, $0x6  }
0x96: {  	_ =	sdelay $0x1  }
0x97: {  	s0 =	sadd.s32 $0x680, s13;
	s16 =	sadd.s32 $0xB80, s13  }
0x98: {  	s1 =	sadd.s32 $0x980, s13;
	s14 =	sadd.s32 $0xC00, s13;
	(v2sf) =	vpush v0, $0x7;
	s17 =	sadd.s32 $0x880, s13  }
0x99: {  	s18 =	sadd.s32 $0xA00, s13;
	s15 =	sadd.s32 $0xC80, s13;
	s19 =	sadd.s32 $0x600, s13  }
0x9a: {  	s20 =	sadd.s32 $0x800, s13;
	s21 =	sadd.s32 $0x900, s13;
	(v2sf) =	vpush v0, $0x8;
	s22 =	spop (v2sf)  }
0x9b: {  	s23 =	sadd.s32 $0x700, s13;
	s22 =	sand.u32 $0x1FFFFFF0, s22;
	s24 =	spop (v2sf)  }
0x9c: {  	(v2sf) =	vpush v0, $0x9;
	s22 =	sadd.s32 s3, s22;
	s24 =	sand.u32 $0x1FFFFFF0, s24;
	s25 =	spop (v2sf)  }
0x9d: {  	[tilespmem:s19], [sflag:$0x1] =	stream.linear.gather [hbm4b:s22+s2], $0x80, $0x38;
	[tilespmem:$0x10600] =	vst v63  }
0x9e: {  	(v2sf) =	vpush v0, $0xA;
	s26 =	sadd.s32 s3, s24;
	s29 =	sand.u32 $0x1FFFFFF0, s25;
	s28 =	spop (v2sf)  }
0x9f: {  	[tilespmem:s0], [sflag:$0x1] =	stream.linear.gather [hbm4b:s26+s2], $0x80, $0x38;
	[tilespmem:$0x10600] =	vst v63  }
0xa0: {  	s19 =	sadd.s32 $0xB00, s13;
	(v2sf) =	vpush v0, $0xB;
	s22 =	sadd.s32 s3, s29;
	s30 =	spop (v2sf)  }
0xa1: {  	s0 =	sadd.s32 $0xA80, s13;
	s26 =	sadd.s32 $0x780, s13;
	s25 =	sand.u32 $0x1FFFFFF0, s30  }
0xa2: {  	(v2sf) =	vpush v0, $0xC;
	[tilespmem:s23], [sflag:$0x1] =	stream.linear.gather [hbm4b:s22+s2], $0x80, $0x38;
	[tilespmem:$0x10600] =	vst v63  }
0xa3: {  	s31 =	sand.u32 $0x1FFFFFF0, s28;
	s28 =	spop (v2sf);
	s29 =	sadd.s32 s3, s25  }
0xa4: {  	(v2sf) =	vpush v0, $0xD;
	[tilespmem:s26], [sflag:$0x1] =	stream.linear.gather [hbm4b:s29+s2], $0x80, $0x38;
	[tilespmem:$0x10600] =	vst v63  }
0xa5: {  	s22 =	sadd.s32 s3, s31;
	s23 =	sand.u32 $0x1FFFFFF0, s28;
	s30 =	spop (v2sf)  }
0xa6: {  	(v2sf) =	vpush v0, $0xE;
	[tilespmem:s20], [sflag:$0x1] =	stream.linear.gather [hbm4b:s22+s2], $0x80, $0x38;
	[tilespmem:$0x10600] =	vst v63  }
0xa7: {  	s23 =	sadd.s32 s3, s23;
	s31 =	sand.u32 $0x1FFFFFF0, s30;
	s24 =	spop (v2sf)  }
0xa8: {  	(v2sf) =	vpush v0, $0xF;
	[tilespmem:s17], [sflag:$0x1] =	stream.linear.gather [hbm4b:s23+s2], $0x80, $0x38;
	[tilespmem:$0x10600] =	vst v63  }
0xa9: {  	s25 =	sand.u32 $0x1FFFFFF0, s24;
	s26 =	spop (v2sf);
	s20 =	sadd.s32 s3, s31  }
0xaa: {  	[tilespmem:s21], [sflag:$0x1] =	stream.linear.gather [hbm4b:s20+s2], $0x80, $0x38;
	[tilespmem:$0x10600] =	vst v63  }
0xab: {  	s28 =	sand.u32 $0x1FFFFFF0, s26;
	s17 =	sadd.s32 s3, s25;
	s29 =	spop (v2sf)  }
0xac: {  	[tilespmem:s1], [sflag:$0x1] =	stream.linear.gather [hbm4b:s17+s2], $0x80, $0x38;
	[tilespmem:$0x10600] =	vst v63  }
0xad: {  	s20 =	sadd.s32 s3, s28;
	s30 =	sand.u32 $0x1FFFFFF0, s29;
	s31 =	spop (v2sf)  }
0xae: {  	[tilespmem:s18], [sflag:$0x1] =	stream.linear.gather [hbm4b:s20+s2], $0x80, $0x38;
	[tilespmem:$0x10600] =	vst v63  }
0xaf: {  	s17 =	sand.u32 $0x1FFFFFF0, s31;
	s1 =	sadd.s32 s3, s30;
	s20 =	spop (v2sf)  }
0xb0: {  	[tilespmem:s0], [sflag:$0x1] =	stream.linear.gather [hbm4b:s1+s2], $0x80, $0x38;
	[tilespmem:$0x10600] =	vst v63  }
0xb1: {  	s17 =	sadd.s32 s3, s17;
	s21 =	sand.u32 $0x1FFFFFF0, s20;
	s22 =	spop (v2sf)  }
0xb2: {  	[tilespmem:s19], [sflag:$0x1] =	stream.linear.gather [hbm4b:s17+s2], $0x80, $0x38;
	[tilespmem:$0x10600] =	vst v63  }
0xb3: {  	s0 =	sadd.s32 s3, s21;
	s1 =	sand.u32 $0x1FFFFFF0, s22;
	s23 =	spop (v2sf)  }
0xb4: {  	[tilespmem:s16], [sflag:$0x1] =	stream.linear.gather [hbm4b:s0+s2], $0x80, $0x38;
	[tilespmem:$0x10600] =	vst v63  }
0xb5: {  	s24 =	sand.u32 $0x1FFFFFF0, s23;
	s1 =	sadd.s32 s3, s1;
	s25 =	spop (v2sf)  }
0xb6: {  	[tilespmem:s14], [sflag:$0x1] =	stream.linear.gather [hbm4b:s1+s2], $0x80, $0x38;
	[tilespmem:$0x10600] =	vst v63  }
0xb7: {  	s26 =	sand.u32 $0x1FFFFFF0, s25;
	s28 =	spop (v2sf);
	s0 =	sadd.s32 s3, s24  }
0xb8: {  	[tilespmem:s15], [sflag:$0x1] =	stream.linear.gather [hbm4b:s0+s2], $0x80, $0x38;
	[tilespmem:$0x10600] =	vst v63  }
0xb9: {  	s30 =	sadd.s32 $0xD00, s13;
	s29 =	sand.u32 $0x1FFFFFF0, s28;
	s1 =	sadd.s32 s3, s26  }
0xba: {  	[tilespmem:s30], [sflag:$0x1] =	stream.linear.gather [hbm4b:s1+s2], $0x80, $0x38;
	[tilespmem:$0x10600] =	vst v63  }
0xbb: {  	s31 =	sadd.s32 $0xD80, s13;
	s0 =	sadd.s32 s3, s29  }
0xbc: {  	[tilespmem:s31], [sflag:$0x1] =	stream.linear.gather [hbm4b:s0+s2], $0x80, $0x38;
	[tilespmem:$0x10600] =	vst v63  }
0xbd: {  	_ =	swait.ge [sflag:s10], $0x80  }
0xbe: {  	s13 =	simm.s32 $0x1FF;
	[sflag:s10] =	ssyncset.done $0x0  }
.LBB2_4:
0xbf: {  	p0 =	sne.s32 s13, $0x1;
	s13 =	sadd.s32 $0xFFFFFFFF, s13;
	[sflag:s10] =	ssyncadd.s32 $0xFFFFFF80  }
.Ltmp1:
0xc0: {  	(pc) =	sbr.rel @p0 .LBB2_4-.Ltmp1, $3  }
0xc1: {  	_ =	sdelay $0x1  }
0xc2: {  	_ =	swait.ge [sflag:s10], $0x80  }
0xc3: {  	[sflag:s10] =	ssyncset.done $0x0  }
0xc4: {  	s12 =	sadd.s32 $0x1, s12  }
0xc5: {  	p0 =	sne.s32 s12, s7  }
.Ltmp2:
0xc6: {  	[sflag:s10] =	ssyncadd.s32 $0xFFFFFF80;
	(pc) =	sbr.rel @p0 .LBB2_1-.Ltmp2, $4  }
0xc7: {  	[hbm4b:s6+s2] =	stream.linear.scatter [tilespmem:s11], [sflag:$0x2], $0x10000, $0x38;
	[tilespmem:$0x10600] =	vst v63  }
0xc8: {  	_ =	swait.ge [sflag:s8], $0x10000  }
0xc9: {  	[sflag:s8] =	ssyncset.done $0x0  }
0xca: {  	[sflag:s8] =	ssyncadd.s32 $0xFFFF0000  }
0xcb: {  	_ =	sfence.sel $0x180000  }
0xcc: {  	[bflag:$0x0] =	sbarrier.arrive $0xFFFF  }
0xcd: {  	_ =	strace $0x90000047  }
0xce: {  	s0 =	stileid.u32;
	[bflag:$0x2] =	sbarrier.arrive $0xFFFF  }
0xcf: {  	p0 =	sne.s32 s0, $0x0;
	s0 =	rddreg [dreg:$0x3]  }
0xd0: {  	s0 =	sadd.s32 @!p0 $0x100000, s0  }
0xd1: {  	[sflag:s0] =	ssyncadd.tile.s32 @!p0 $0x1;
	_ =	shalt  }
.Lfunc_end2:
_tile_overlayer_lowered:
.L_overlay_start_2:
0xd2: {  	(tag) =	ssettag $0x2  }
0xd3: {  	s0 =	rddreg [dreg:$0x0];
	s2 =	stileid.u32  }
0xd4: {  	s1 =	rddreg [dreg:$0x1];
	p0 =	sne.s32 s2, $0x0  }
0xd5: {  	s3 =	rddreg [dreg:$0x2];
	[bflag:$0x3] =	sbarrier.arrive $0xFFFF;
	s2 =	simm.s32 @!p0 $0x1C02  }
0xd6: {  	[timem:s3], [sflag:s2] =	dma.local @!p0 [hbm:s0], s1  }
0xd7: {  	s0 =	simm.s32 @!p0 $0x2  }
0xd8: {  	_ =	swait.ge @!p0 [sflag:s0], s1  }
0xd9: {  	s1 =	ssub.s32 @!p0 $0x0, s1;
	[sflag:s0] =	ssyncset.done @!p0 $0x0  }
0xda: {  	[sflag:s0] =	ssyncadd.s32 @!p0 s1  }
0xdb: {  	[bflag:$0x3] =	sbarrier.arrive $0xFFFF  }
0xdc: {  	_ =	shalt  }

</sc_bundles>
